<compile_context>
chip_gen: v7x
topology: tpu7x:2x2x1
jax: 0.10.2.dev20260603
libtpu: 0.0.44.dev20260713+nightly
codegen_flags: <defaults>
</compile_context>

<pallas_src>
import functools

import jax
import jax.numpy as jnp
from jax import lax
from jax.experimental import pallas as pl
from jax.experimental.pallas import tpu as pltpu
from jax.experimental.pallas import tpu_sc as plsc

_NC = 2
_NS = 16
_NW = _NC * _NS
_CH = 128



def _first_body(x_ref, W_ref, WgT_ref, Ws_ref, b_ref, y_ref, z_ref):
    h = x_ref[...]
    z_ref[...] = jnp.dot(h, Ws_ref[...], preferred_element_type=jnp.float32) + b_ref[...]
    for r in range(3):
        gate = jax.nn.sigmoid(
            jnp.sum(h * WgT_ref[r], axis=1, keepdims=True))
        y_ref[r] = gate * jnp.dot(h, W_ref[r], preferred_element_type=jnp.float32)


def _mid_body(agg_ref, zp_ref, W_ref, WgT_ref, Ws_ref, b_ref, y_ref, z_ref, h_ref):
    h = jnp.tanh(agg_ref[0] + agg_ref[1] + zp_ref[...])
    h_ref[...] = h
    z_ref[...] = jnp.dot(h, Ws_ref[...], preferred_element_type=jnp.float32) + b_ref[...]
    for r in range(3):
        gate = jax.nn.sigmoid(
            jnp.sum(h * WgT_ref[r], axis=1, keepdims=True))
        y_ref[r] = gate * jnp.dot(h, W_ref[r], preferred_element_type=jnp.float32)


def _table_first(x, W, WgT, Ws, b, blk):
    N, H = x.shape
    grid = N // blk
    return pl.pallas_call(
        _first_body,
        grid=(grid,),
        in_specs=[
            pl.BlockSpec((blk, H), lambda i: (i, 0)),
            pl.BlockSpec((3, H, H), lambda i: (0, 0, 0)),
            pl.BlockSpec((3, 1, H), lambda i: (0, 0, 0)),
            pl.BlockSpec((H, H), lambda i: (0, 0)),
            pl.BlockSpec((1, H), lambda i: (0, 0)),
        ],
        out_specs=[
            pl.BlockSpec((3, blk, H), lambda i: (0, i, 0)),
            pl.BlockSpec((blk, H), lambda i: (i, 0)),
        ],
        out_shape=[
            jax.ShapeDtypeStruct((3, N, H), jnp.float32),
            jax.ShapeDtypeStruct((N, H), jnp.float32),
        ],
    )(x, W, WgT, Ws, b)


def _table_mid(agg, zp, W, WgT, Ws, b, blk):
    N, H = zp.shape
    grid = N // blk
    return pl.pallas_call(
        _mid_body,
        grid=(grid,),
        in_specs=[
            pl.BlockSpec((2, blk, H), lambda i: (0, i, 0)),
            pl.BlockSpec((blk, H), lambda i: (i, 0)),
            pl.BlockSpec((3, H, H), lambda i: (0, 0, 0)),
            pl.BlockSpec((3, 1, H), lambda i: (0, 0, 0)),
            pl.BlockSpec((H, H), lambda i: (0, 0)),
            pl.BlockSpec((1, H), lambda i: (0, 0)),
        ],
        out_specs=[
            pl.BlockSpec((3, blk, H), lambda i: (0, i, 0)),
            pl.BlockSpec((blk, H), lambda i: (i, 0)),
            pl.BlockSpec((blk, H), lambda i: (i, 0)),
        ],
        out_shape=[
            jax.ShapeDtypeStruct((3, N, H), jnp.float32),
            jax.ShapeDtypeStruct((N, H), jnp.float32),
            jax.ShapeDtypeStruct((N, H), jnp.float32),
        ],
    )(agg, zp, W, WgT, Ws, b)



def _tail_body(agg_ref, zp_ref, We_ref, be_ref, Wa_ref, ba_ref,
               f1_ref, f1b_ref, f2_ref, f2b_ref, f3_ref, f3b_ref,
               f4_ref, f4b_ref, f5_ref, f5b_ref,
               gv_ref, gov_ref, tool_ref, out_ref):
    H = 128
    h3 = jnp.tanh(agg_ref[0] + agg_ref[1] + zp_ref[...])
    We = We_ref[...]
    be = be_ref[...]
    wa = Wa_ref[...]
    go = jnp.tanh(jnp.dot(gov_ref[...], We,
                          preferred_element_type=jnp.float32) + be)
    logits = jnp.dot(h3, wa[:H], preferred_element_type=jnp.float32)
    logits = logits + jnp.dot(go, wa[H:],
                              preferred_element_type=jnp.float32) + ba_ref[...]
    m = jnp.max(logits)
    w = jnp.exp(logits - m)
    attn = w / jnp.sum(w)
    scene = jnp.sum(attn * h3, axis=0, keepdims=True)
    ge = jnp.tanh(jnp.dot(gv_ref[...], We,
                          preferred_element_type=jnp.float32) + be)
    te = jnp.tanh(jnp.dot(tool_ref[...], We,
                          preferred_element_type=jnp.float32) + be)
    f1 = f1_ref[...]
    hh = jnp.tanh(jnp.dot(scene, f1[:H], preferred_element_type=jnp.float32)
                  + jnp.dot(ge, f1[H:2 * H], preferred_element_type=jnp.float32)
                  + jnp.dot(te, f1[2 * H:], preferred_element_type=jnp.float32)
                  + f1b_ref[...])
    hh = jnp.tanh(jnp.dot(hh, f2_ref[...], preferred_element_type=jnp.float32) + f2b_ref[...])
    hh = jnp.tanh(jnp.dot(hh, f3_ref[...], preferred_element_type=jnp.float32) + f3b_ref[...])
    hh = jnp.tanh(jnp.dot(hh, f4_ref[...], preferred_element_type=jnp.float32) + f4b_ref[...])
    out_ref[...] = jax.nn.sigmoid(
        jnp.dot(hh, f5_ref[...], preferred_element_type=jnp.float32) + f5b_ref[...])


def _tail(agg, zp, We, be, Wa, ba, fcs, gv, gov, tool_vec):
    T = tool_vec.shape[0]
    (f1, f1b), (f2, f2b), (f3, f3b), (f4, f4b), (f5, f5b) = fcs
    return pl.pallas_call(
        _tail_body,
        out_shape=jax.ShapeDtypeStruct((T, 1), jnp.float32),
    )(agg, zp, We, be, Wa, ba,
      f1, f1b, f2, f2b, f3, f3b, f4, f4b, f5, f5b,
      gv, gov, tool_vec)



def _sc_aggregate(y2d, flat3, dst3, zeros, N, H, n_chunks):
    rows_per_tile = ((N + _NS - 1) // _NS + 7) // 8 * 8
    NP = rows_per_tile * _NS

    mesh = plsc.VectorSubcoreMesh(core_axis_name="c", subcore_axis_name="s",
                                  num_cores=_NC)
    @functools.partial(
        pl.kernel,
        out_type=jax.ShapeDtypeStruct((_NC * NP, H), jnp.float32),
        mesh=mesh,
        scratch_types=[
            pltpu.VMEM((n_chunks, _CH), jnp.int32),
            pltpu.VMEM((n_chunks, _CH), jnp.int32),
            pltpu.VMEM((_CH, H), jnp.float32),
            pltpu.VMEM_SHARED((NP, H), jnp.float32),
            pltpu.SemaphoreType.DMA,
        ],
    )
    def k(y_hbm, flat_hbm, dst_hbm, zeros_hbm, out_hbm,
          idx_v, dst_v, rows_v, acc, sem):
        cid = lax.axis_index("c")
        sid = lax.axis_index("s")
        wid = sid * _NC + cid
        pltpu.sync_copy(zeros_hbm, acc.at[pl.ds(sid * rows_per_tile, rows_per_tile)])
        pltpu.sync_copy(flat_hbm.at[wid], idx_v)
        pltpu.sync_copy(dst_hbm.at[wid], dst_v)
        plsc.subcore_barrier()

        def chunk(j, carry):
            pltpu.async_copy(y_hbm.at[idx_v.at[j]], rows_v, sem).wait()
            pltpu.sync_copy(rows_v, acc.at[dst_v.at[j]], add=True)
            return carry

        lax.fori_loop(0, n_chunks, chunk, 0)
        plsc.subcore_barrier()
        pltpu.sync_copy(acc.at[pl.ds(sid * rows_per_tile, rows_per_tile)],
                        out_hbm.at[pl.ds(cid * NP + sid * rows_per_tile,
                                         rows_per_tile)])

    out = k(y2d, flat3, dst3, zeros)
    return out.reshape(_NC, NP, H)



def kernel(x, edge_index, edge_type, goalVec, goalObjectsVec,
           W0, Wg0, Ws0, b0, W1, Wg1, Ws1, b1, W2, Wg2, Ws2, b2,
           We, be, Wa, ba, fc1_W, fc1_b, fc2_W, fc2_b, fc3_W, fc3_b,
           fc4_W, fc4_b, fc5_W, fc5_b, tool_vec):
    N, H = x.shape[0], x.shape[1]
    E = edge_index.shape[1]
    assert E % _NW == 0
    ew = E // _NW
    n_chunks = (ew + _CH - 1) // _CH
    ewp = n_chunks * _CH
    rows_per_tile = ((N + _NS - 1) // _NS + 7) // 8 * 8
    NP = rows_per_tile * _NS

    src = edge_index[0]
    dst = edge_index[1]
    flat = edge_type * N + src
    pad = ewp - ew
    flat3 = jnp.pad(flat.reshape(_NW, ew), ((0, 0), (0, pad))
                    ).reshape(_NW, n_chunks, _CH)
    dst3 = jnp.pad(dst.reshape(_NW, ew), ((0, 0), (0, pad)),
                   constant_values=N).reshape(_NW, n_chunks, _CH)
    zeros = jnp.zeros((rows_per_tile, H), jnp.float32)

    blk = 1000
    WgT0 = jnp.transpose(Wg0, (0, 2, 1))
    WgT1 = jnp.transpose(Wg1, (0, 2, 1))
    WgT2 = jnp.transpose(Wg2, (0, 2, 1))
    b0r, b1r, b2r = b0.reshape(1, H), b1.reshape(1, H), b2.reshape(1, H)

    y, z = _table_first(x, W0, WgT0, Ws0, b0r, blk)
    agg = _sc_aggregate(y.reshape(3 * N, H), flat3, dst3, zeros, N, H, n_chunks)
    y, z, _h = _table_mid(agg[:, :N], z, W1, WgT1, Ws1, b1r, blk)
    agg = _sc_aggregate(y.reshape(3 * N, H), flat3, dst3, zeros, N, H, n_chunks)
    y, z, _h = _table_mid(agg[:, :N], z, W2, WgT2, Ws2, b2r, blk)
    agg = _sc_aggregate(y.reshape(3 * N, H), flat3, dst3, zeros, N, H, n_chunks)

    fcs = [(fc1_W, fc1_b.reshape(1, H)), (fc2_W, fc2_b.reshape(1, H)),
           (fc3_W, fc3_b.reshape(1, H)), (fc4_W, fc4_b.reshape(1, H)),
           (fc5_W, fc5_b.reshape(1, 1))]
    return _tail(agg[:, :N], z, We, be.reshape(1, H), Wa, ba.reshape(1, 1),
                 fcs, goalVec.reshape(1, -1), goalObjectsVec.reshape(1, -1),
                 tool_vec)

# --- scband reference (transcript-rebuilt; emitter-appended) ---
"""Pipeline reference for scband-dgl-agcn-likelihood-85710367359233 (READ-ONLY COPY).

The authoritative reference and input builder live on the scoring server;
editing this copy changes nothing except your own understanding.
"""

import jax, jax.numpy as jnp
import numpy as np

N = 10000
E = 320000
IN_FEATS = 128
HIDDEN = 128
R = 3
PV = 300
NUMTOOLS = 20


def _linparams(key, din, dout):
    kw, kb = jax.random.split(key)
    s = 1.0 / np.sqrt(din)
    W = jax.random.uniform(kw, (din, dout), jnp.float32, -s, s)
    b = jax.random.uniform(kb, (dout,), jnp.float32, -s, s)
    return W, b


def setup_inputs(seed: int = 0) -> dict:
    key = jax.random.key(seed)
    ks = jax.random.split(key, 32)
    inp = {}
    inp['x'] = jax.random.normal(ks[0], (N, IN_FEATS), jnp.float32)
    inp['edge_index'] = jax.random.randint(ks[1], (2, E), 0, N, jnp.int32)
    inp['edge_type'] = jax.random.randint(ks[2], (E,), 0, R, jnp.int32)
    inp['goalVec'] = jax.random.normal(ks[3], (PV,), jnp.float32)
    inp['goalObjectsVec'] = jax.random.normal(ks[4], (PV,), jnp.float32)
    dims = [(IN_FEATS, HIDDEN), (HIDDEN, HIDDEN), (HIDDEN, HIDDEN)]
    for li, (din, dout) in enumerate(dims):
        s = 1.0 / np.sqrt(din)
        kk = jax.random.split(ks[5 + li], 4)
        inp['W%d' % li] = jax.random.uniform(kk[0], (R, din, dout), jnp.float32, -s, s)
        inp['Wg%d' % li] = jax.random.uniform(kk[1], (R, din, 1), jnp.float32, -s, s)
        inp['Ws%d' % li] = jax.random.uniform(kk[2], (din, dout), jnp.float32, -s, s)
        inp['b%d' % li] = jax.random.uniform(kk[3], (dout,), jnp.float32, -s, s)
    inp['We'], inp['be'] = _linparams(ks[10], PV, HIDDEN)
    inp['Wa'], inp['ba'] = _linparams(ks[11], 2 * HIDDEN, 1)
    inp['fc1_W'], inp['fc1_b'] = _linparams(ks[12], 3 * HIDDEN, HIDDEN)
    inp['fc2_W'], inp['fc2_b'] = _linparams(ks[13], HIDDEN, HIDDEN)
    inp['fc3_W'], inp['fc3_b'] = _linparams(ks[14], HIDDEN, HIDDEN)
    inp['fc4_W'], inp['fc4_b'] = _linparams(ks[15], HIDDEN, HIDDEN)
    inp['fc5_W'], inp['fc5_b'] = _linparams(ks[16], HIDDEN, 1)
    inp['tool_vec'] = jax.random.normal(ks[17], (NUMTOOLS, PV), jnp.float32)
    return inp


def _gated_layer(h, src, dst, etype, W, Wg, Ws, b):
    # per-edge-type message transform + learned sigmoid gate, scatter-add to dst
    xW = jnp.einsum('ni,rio->rno', h, W)    # [R, N, H]
    xG = jnp.einsum('ni,rio->rno', h, Wg)   # [R, N, 1]
    msg = xW[etype, src]                     # gather [E, H]
    gate = jax.nn.sigmoid(xG[etype, src])    # gather [E, 1]
    agg = jax.ops.segment_sum(msg * gate, dst, num_segments=h.shape[0])
    return jnp.tanh(agg + h @ Ws + b)


def _forward(x, edge_index, edge_type, goalVec, goalObjectsVec, layer_params, We, be, Wa, ba, fcs, tool_vec):
    src = edge_index[0]
    dst = edge_index[1]
    h = x
    for (W, Wg, Ws, b) in layer_params:
        h = _gated_layer(h, src, dst, edge_type, W, Wg, Ws, b)
    go = jnp.tanh(goalObjectsVec @ We + be)                               # embed(goalObjectsVec)
    attn_emb = jnp.concatenate([h, jnp.tile(go[None, :], (h.shape[0], 1))], axis=1)
    attn_w = jax.nn.softmax(attn_emb @ Wa + ba, axis=0)                   # softmax over nodes
    scene = attn_w.T @ h                                                  # [1, H]
    goal_embed = jnp.tanh(goalVec.reshape(1, -1) @ We + be)               # [1, H]
    sg = jnp.concatenate([scene, goal_embed], axis=1)                     # [1, 2H]
    te = jnp.tanh(tool_vec @ We + be)                                     # [T, H]
    ft = jnp.concatenate([jnp.tile(sg, (NUMTOOLS, 1)), te], axis=1)       # [T, 3H]
    (f1W, f1b), (f2W, f2b), (f3W, f3b), (f4W, f4b), (f5W, f5b) = fcs
    hh = jnp.tanh(ft @ f1W + f1b)
    hh = jnp.tanh(hh @ f2W + f2b)
    hh = jnp.tanh(hh @ f3W + f3b)
    hh = jnp.tanh(hh @ f4W + f4b)
    out = jax.nn.sigmoid(hh @ f5W + f5b)                                  # [T, 1] == torch.stack(l)
    return out


def reference(x, edge_index, edge_type, goalVec, goalObjectsVec, W0, Wg0, Ws0, b0, W1, Wg1, Ws1, b1, W2, Wg2, Ws2, b2, We, be, Wa, ba, fc1_W, fc1_b, fc2_W, fc2_b, fc3_W, fc3_b, fc4_W, fc4_b, fc5_W, fc5_b, tool_vec):
    layer_params = [(W0, Wg0, Ws0, b0), (W1, Wg1, Ws1, b1), (W2, Wg2, Ws2, b2)]
    fcs = [(fc1_W, fc1_b), (fc2_W, fc2_b), (fc3_W, fc3_b), (fc4_W, fc4_b), (fc5_W, fc5_b)]
    return _forward(x, edge_index, edge_type, goalVec, goalObjectsVec, layer_params, We, be, Wa, ba, fcs, tool_vec)

if __name__ == "__main__":
    import jax
    _d = setup_inputs()
    print(jax.jit(kernel)(*tuple(_d.values())))

</pallas_src>

<mosaic_0001>
#map = affine_map<(d0, d1) -> (0, 0)>
#map1 = affine_map<(d0, d1) -> (0, 0, 0)>
module attributes {stable_mosaic.version = 14 : i64} {
  func.func @k(%arg0: i32, %arg1: i32, %arg2: memref<30000x128xf32, #tpu.memory_space<hbm>>, %arg3: memref<32x79x128xi32, #tpu.memory_space<hbm>>, %arg4: memref<32x79x128xi32, #tpu.memory_space<hbm>>, %arg5: memref<632x128xf32, #tpu.memory_space<hbm>>, %arg6: memref<20224x128xf32, #tpu.memory_space<hbm>>, %arg7: memref<79x128xi32, #tpu.memory_space<vmem>>, %arg8: memref<79x128xi32, #tpu.memory_space<vmem>>, %arg9: memref<128x128xf32, #tpu.memory_space<vmem>>, %arg10: memref<10112x128xf32, #tpu.memory_space<vmem_shared>>, %arg11: memref<!tpu.dma_semaphore, #tpu.memory_space<semaphore_mem>>) attributes {dimension_semantics = [#tpu.dimension_semantics<core_parallel>, #tpu.dimension_semantics<subcore_parallel>], iteration_bounds = array<i64: 2, 16>, scalar_prefetch = 0 : i64, scratch_operands = 5 : i64, tpu.core_type = #tpu.core_type<sc_vector_subcore>, window_params = [{transform_indices = #map}, {transform_indices = #map1}, {transform_indices = #map1}, {transform_indices = #map}, {transform_indices = #map}]} {
    %mul3A = arith.constant 2 : i32
    %mul3A_0 = arith.muli %arg1, %mul3A : i32
    %add3A = arith.addi %mul3A_0, %arg0 : i32
    %mul3A_1 = arith.constant 632 : i32
    %mul3A_2 = arith.muli %arg1, %mul3A_1 : i32
    "tpu.region"() ({
      %run_scoped3A = tpu.sem_alloc : memref<!tpu.dma_semaphore, #tpu.memory_space<semaphore_mem>>
      %dma_start3A = arith.constant 0 : i32
      %dma_start3A_16 = tpu.memref_slice %arg10[%mul3A_2, %dma_start3A] : memref<10112x128xf32, #tpu.memory_space<vmem_shared>> -> memref<632x128xf32, #tpu.memory_space<vmem_shared>>
      tpu.enqueue_dma source(%arg5 : memref<632x128xf32, #tpu.memory_space<hbm>>) target(%dma_start3A_16 : memref<632x128xf32, #tpu.memory_space<vmem_shared>>) target_semaphore(%run_scoped3A : memref<!tpu.dma_semaphore, #tpu.memory_space<semaphore_mem>>)
      %dma_wait3A = arith.constant 0 : i32
      %dma_wait3A_17 = tpu.memref_slice %arg10[%mul3A_2, %dma_wait3A] : memref<10112x128xf32, #tpu.memory_space<vmem_shared>> -> memref<632x128xf32, #tpu.memory_space<vmem_shared>>
      tpu.wait_dma2 semaphore(%run_scoped3A : memref<!tpu.dma_semaphore, #tpu.memory_space<semaphore_mem>>) src(%arg5 : memref<632x128xf32, #tpu.memory_space<hbm>>) dst(%dma_wait3A_17 : memref<632x128xf32, #tpu.memory_space<vmem_shared>>)
      tpu.yield
    }) : () -> ()
    "tpu.region"() ({
      %run_scoped3A = tpu.sem_alloc : memref<!tpu.dma_semaphore, #tpu.memory_space<semaphore_mem>>
      %dma_start3A = arith.constant 0 : i32
      %dma_start3A_16 = arith.constant 0 : i32
      %dma_start3A_17 = tpu.memref_slice %arg3[%add3A, %dma_start3A, %dma_start3A_16] : memref<32x79x128xi32, #tpu.memory_space<hbm>> -> memref<1x79x128xi32, #tpu.memory_space<hbm>>
      %dma_start3A_18 = tpu.memref_squeeze %dma_start3A_17 : memref<1x79x128xi32, #tpu.memory_space<hbm>> -> memref<79x128xi32, #tpu.memory_space<hbm>>
      %dma_start3A_19 = arith.constant 0 : i32
      %dma_start3A_20 = arith.constant 0 : i32
      %dma_start3A_21 = tpu.memref_slice %arg3[%add3A, %dma_start3A_19, %dma_start3A_20] : memref<32x79x128xi32, #tpu.memory_space<hbm>> -> memref<1x79x128xi32, #tpu.memory_space<hbm>>
      %dma_start3A_22 = tpu.memref_squeeze %dma_start3A_21 : memref<1x79x128xi32, #tpu.memory_space<hbm>> -> memref<79x128xi32, #tpu.memory_space<hbm>>
      tpu.enqueue_dma source(%dma_start3A_22 : memref<79x128xi32, #tpu.memory_space<hbm>>) target(%arg7 : memref<79x128xi32, #tpu.memory_space<vmem>>) target_semaphore(%run_scoped3A : memref<!tpu.dma_semaphore, #tpu.memory_space<semaphore_mem>>)
      %dma_wait3A = arith.constant 0 : i32
      %dma_wait3A_23 = arith.constant 0 : i32
      %dma_wait3A_24 = tpu.memref_slice %arg3[%add3A, %dma_wait3A, %dma_wait3A_23] : memref<32x79x128xi32, #tpu.memory_space<hbm>> -> memref<1x79x128xi32, #tpu.memory_space<hbm>>
      %dma_wait3A_25 = tpu.memref_squeeze %dma_wait3A_24 : memref<1x79x128xi32, #tpu.memory_space<hbm>> -> memref<79x128xi32, #tpu.memory_space<hbm>>
      %dma_wait3A_26 = arith.constant 0 : i32
      %dma_wait3A_27 = arith.constant 0 : i32
      %dma_wait3A_28 = tpu.memref_slice %arg3[%add3A, %dma_wait3A_26, %dma_wait3A_27] : memref<32x79x128xi32, #tpu.memory_space<hbm>> -> memref<1x79x128xi32, #tpu.memory_space<hbm>>
      %dma_wait3A_29 = tpu.memref_squeeze %dma_wait3A_28 : memref<1x79x128xi32, #tpu.memory_space<hbm>> -> memref<79x128xi32, #tpu.memory_space<hbm>>
      tpu.wait_dma2 semaphore(%run_scoped3A : memref<!tpu.dma_semaphore, #tpu.memory_space<semaphore_mem>>) src(%dma_wait3A_29 : memref<79x128xi32, #tpu.memory_space<hbm>>) dst(%arg7 : memref<79x128xi32, #tpu.memory_space<vmem>>)
      tpu.yield
    }) : () -> ()
    "tpu.region"() ({
      %run_scoped3A = tpu.sem_alloc : memref<!tpu.dma_semaphore, #tpu.memory_space<semaphore_mem>>
      %dma_start3A = arith.constant 0 : i32
      %dma_start3A_16 = arith.constant 0 : i32
      %dma_start3A_17 = tpu.memref_slice %arg4[%add3A, %dma_start3A, %dma_start3A_16] : memref<32x79x128xi32, #tpu.memory_space<hbm>> -> memref<1x79x128xi32, #tpu.memory_space<hbm>>
      %dma_start3A_18 = tpu.memref_squeeze %dma_start3A_17 : memref<1x79x128xi32, #tpu.memory_space<hbm>> -> memref<79x128xi32, #tpu.memory_space<hbm>>
      %dma_start3A_19 = arith.constant 0 : i32
      %dma_start3A_20 = arith.constant 0 : i32
      %dma_start3A_21 = tpu.memref_slice %arg4[%add3A, %dma_start3A_19, %dma_start3A_20] : memref<32x79x128xi32, #tpu.memory_space<hbm>> -> memref<1x79x128xi32, #tpu.memory_space<hbm>>
      %dma_start3A_22 = tpu.memref_squeeze %dma_start3A_21 : memref<1x79x128xi32, #tpu.memory_space<hbm>> -> memref<79x128xi32, #tpu.memory_space<hbm>>
      tpu.enqueue_dma source(%dma_start3A_22 : memref<79x128xi32, #tpu.memory_space<hbm>>) target(%arg8 : memref<79x128xi32, #tpu.memory_space<vmem>>) target_semaphore(%run_scoped3A : memref<!tpu.dma_semaphore, #tpu.memory_space<semaphore_mem>>)
      %dma_wait3A = arith.constant 0 : i32
      %dma_wait3A_23 = arith.constant 0 : i32
      %dma_wait3A_24 = tpu.memref_slice %arg4[%add3A, %dma_wait3A, %dma_wait3A_23] : memref<32x79x128xi32, #tpu.memory_space<hbm>> -> memref<1x79x128xi32, #tpu.memory_space<hbm>>
      %dma_wait3A_25 = tpu.memref_squeeze %dma_wait3A_24 : memref<1x79x128xi32, #tpu.memory_space<hbm>> -> memref<79x128xi32, #tpu.memory_space<hbm>>
      %dma_wait3A_26 = arith.constant 0 : i32
      %dma_wait3A_27 = arith.constant 0 : i32
      %dma_wait3A_28 = tpu.memref_slice %arg4[%add3A, %dma_wait3A_26, %dma_wait3A_27] : memref<32x79x128xi32, #tpu.memory_space<hbm>> -> memref<1x79x128xi32, #tpu.memory_space<hbm>>
      %dma_wait3A_29 = tpu.memref_squeeze %dma_wait3A_28 : memref<1x79x128xi32, #tpu.memory_space<hbm>> -> memref<79x128xi32, #tpu.memory_space<hbm>>
      tpu.wait_dma2 semaphore(%run_scoped3A : memref<!tpu.dma_semaphore, #tpu.memory_space<semaphore_mem>>) src(%dma_wait3A_29 : memref<79x128xi32, #tpu.memory_space<hbm>>) dst(%arg8 : memref<79x128xi32, #tpu.memory_space<vmem>>)
      tpu.yield
    }) : () -> ()
    %barrier3A = arith.constant 0 : index
    tpu.barrier barrier_id(%barrier3A)
    %scan3A = arith.constant 0 : i32
    %scan3A_3 = arith.constant 0 : i32
    %scan3A_4 = arith.constant 79 : i32
    %scan3A_5 = arith.addi %scan3A_3, %scan3A_4 : i32
    %scan3A_6 = arith.constant 1 : i32
    scf.for %scan3A_16 = %scan3A_3 to %scan3A_5 step %scan3A_6  : i32 {
      %dma_start3A = arith.constant 0 : i32
      %dma_start3A_17 = tpu.memref_slice %arg7[%scan3A_16, %dma_start3A] : memref<79x128xi32, #tpu.memory_space<vmem>> -> memref<1x128xi32, #tpu.memory_space<vmem>>
      %dma_start3A_18 = tpu.memref_squeeze %dma_start3A_17 : memref<1x128xi32, #tpu.memory_space<vmem>> -> memref<128xi32, #tpu.memory_space<vmem>>
      %dma_start3A_19 = arith.constant 0 : i32
      %dma_start3A_20 = arith.constant 0 : i32
      %dma_start3A_21 = tpu.memref_slice %arg2[%dma_start3A_19, %dma_start3A_20] : memref<30000x128xf32, #tpu.memory_space<hbm>> -> memref<30000x128xf32, #tpu.memory_space<hbm>>
      tpu.enqueue_indirect_dma source(%dma_start3A_21 : memref<30000x128xf32, #tpu.memory_space<hbm>>) target(%arg9 : memref<128x128xf32, #tpu.memory_space<vmem>>) offsets(%dma_start3A_18 : memref<128xi32, #tpu.memory_space<vmem>>) semaphore(%arg11 : memref<!tpu.dma_semaphore, #tpu.memory_space<semaphore_mem>>)
      %dma_wait3A = arith.constant 0 : i32
      %dma_wait3A_22 = tpu.memref_slice %arg7[%scan3A_16, %dma_wait3A] : memref<79x128xi32, #tpu.memory_space<vmem>> -> memref<1x128xi32, #tpu.memory_space<vmem>>
      %dma_wait3A_23 = tpu.memref_squeeze %dma_wait3A_22 : memref<1x128xi32, #tpu.memory_space<vmem>> -> memref<128xi32, #tpu.memory_space<vmem>>
      %dma_wait3A_24 = arith.constant 0 : i32
      %dma_wait3A_25 = arith.constant 0 : i32
      %dma_wait3A_26 = tpu.memref_slice %arg2[%dma_wait3A_24, %dma_wait3A_25] : memref<30000x128xf32, #tpu.memory_space<hbm>> -> memref<30000x128xf32, #tpu.memory_space<hbm>>
      tpu.wait_indirect_dma semaphore(%arg11 : memref<!tpu.dma_semaphore, #tpu.memory_space<semaphore_mem>>) src(%dma_wait3A_26 : memref<30000x128xf32, #tpu.memory_space<hbm>>) dst(%arg9 : memref<128x128xf32, #tpu.memory_space<vmem>>)
      "tpu.region"() ({
        %run_scoped3A = tpu.sem_alloc : memref<!tpu.dma_semaphore, #tpu.memory_space<semaphore_mem>>
        %dma_start3A_27 = arith.constant 0 : i32
        %dma_start3A_28 = tpu.memref_slice %arg8[%scan3A_16, %dma_start3A_27] : memref<79x128xi32, #tpu.memory_space<vmem>> -> memref<1x128xi32, #tpu.memory_space<vmem>>
        %dma_start3A_29 = tpu.memref_squeeze %dma_start3A_28 : memref<1x128xi32, #tpu.memory_space<vmem>> -> memref<128xi32, #tpu.memory_space<vmem>>
        %dma_start3A_30 = arith.constant 0 : i32
        %dma_start3A_31 = arith.constant 0 : i32
        %dma_start3A_32 = tpu.memref_slice %arg10[%dma_start3A_30, %dma_start3A_31] : memref<10112x128xf32, #tpu.memory_space<vmem_shared>> -> memref<10112x128xf32, #tpu.memory_space<vmem_shared>>
        tpu.enqueue_indirect_dma source(%arg9 : memref<128x128xf32, #tpu.memory_space<vmem>>) target(%dma_start3A_32 : memref<10112x128xf32, #tpu.memory_space<vmem_shared>>) offsets(%dma_start3A_29 : memref<128xi32, #tpu.memory_space<vmem>>) semaphore(%run_scoped3A : memref<!tpu.dma_semaphore, #tpu.memory_space<semaphore_mem>>) {add = true}
        %dma_wait3A_33 = arith.constant 0 : i32
        %dma_wait3A_34 = tpu.memref_slice %arg8[%scan3A_16, %dma_wait3A_33] : memref<79x128xi32, #tpu.memory_space<vmem>> -> memref<1x128xi32, #tpu.memory_space<vmem>>
        %dma_wait3A_35 = tpu.memref_squeeze %dma_wait3A_34 : memref<1x128xi32, #tpu.memory_space<vmem>> -> memref<128xi32, #tpu.memory_space<vmem>>
        %dma_wait3A_36 = arith.constant 0 : i32
        %dma_wait3A_37 = arith.constant 0 : i32
        %dma_wait3A_38 = tpu.memref_slice %arg10[%dma_wait3A_36, %dma_wait3A_37] : memref<10112x128xf32, #tpu.memory_space<vmem_shared>> -> memref<10112x128xf32, #tpu.memory_space<vmem_shared>>
        tpu.wait_indirect_dma semaphore(%run_scoped3A : memref<!tpu.dma_semaphore, #tpu.memory_space<semaphore_mem>>) src(%arg9 : memref<128x128xf32, #tpu.memory_space<vmem>>) dst(%dma_wait3A_38 : memref<10112x128xf32, #tpu.memory_space<vmem_shared>>)
        tpu.yield
      }) : () -> ()
    }
    %scan3A_7 = arith.constant 79 : i32
    %barrier3A_8 = arith.constant 0 : index
    tpu.barrier barrier_id(%barrier3A_8)
    %mul3A_9 = arith.constant 632 : i32
    %mul3A_10 = arith.muli %arg1, %mul3A_9 : i32
    %mul3A_11 = arith.constant 10112 : i32
    %mul3A_12 = arith.muli %arg0, %mul3A_11 : i32
    %mul3A_13 = arith.constant 632 : i32
    %mul3A_14 = arith.muli %arg1, %mul3A_13 : i32
    %add3A_15 = arith.addi %mul3A_12, %mul3A_14 : i32
    "tpu.region"() ({
      %run_scoped3A = tpu.sem_alloc : memref<!tpu.dma_semaphore, #tpu.memory_space<semaphore_mem>>
      %dma_start3A = arith.constant 0 : i32
      %dma_start3A_16 = tpu.memref_slice %arg6[%add3A_15, %dma_start3A] : memref<20224x128xf32, #tpu.memory_space<hbm>> -> memref<632x128xf32, #tpu.memory_space<hbm>>
      %dma_start3A_17 = arith.constant 0 : i32
      %dma_start3A_18 = tpu.memref_slice %arg10[%mul3A_10, %dma_start3A_17] : memref<10112x128xf32, #tpu.memory_space<vmem_shared>> -> memref<632x128xf32, #tpu.memory_space<vmem_shared>>
      tpu.enqueue_dma source(%dma_start3A_18 : memref<632x128xf32, #tpu.memory_space<vmem_shared>>) target(%dma_start3A_16 : memref<632x128xf32, #tpu.memory_space<hbm>>) target_semaphore(%run_scoped3A : memref<!tpu.dma_semaphore, #tpu.memory_space<semaphore_mem>>)
      %dma_wait3A = arith.constant 0 : i32
      %dma_wait3A_19 = tpu.memref_slice %arg6[%add3A_15, %dma_wait3A] : memref<20224x128xf32, #tpu.memory_space<hbm>> -> memref<632x128xf32, #tpu.memory_space<hbm>>
      %dma_wait3A_20 = arith.constant 0 : i32
      %dma_wait3A_21 = tpu.memref_slice %arg10[%mul3A_10, %dma_wait3A_20] : memref<10112x128xf32, #tpu.memory_space<vmem_shared>> -> memref<632x128xf32, #tpu.memory_space<vmem_shared>>
      tpu.wait_dma2 semaphore(%run_scoped3A : memref<!tpu.dma_semaphore, #tpu.memory_space<semaphore_mem>>) src(%dma_wait3A_21 : memref<632x128xf32, #tpu.memory_space<vmem_shared>>) dst(%dma_wait3A_19 : memref<632x128xf32, #tpu.memory_space<hbm>>)
      tpu.yield
    }) : () -> ()
    return
  }
}

#map = affine_map<(d0, d1) -> (0, 0)>
#map1 = affine_map<(d0, d1) -> (0, 0, 0)>
module attributes {stable_mosaic.version = 14 : i64} {
  func.func @k(%arg0: i32, %arg1: i32, %arg2: memref<30000x128xf32, #tpu.memory_space<hbm>>, %arg3: memref<32x79x128xi32, #tpu.memory_space<hbm>>, %arg4: memref<32x79x128xi32, #tpu.memory_space<hbm>>, %arg5: memref<632x128xf32, #tpu.memory_space<hbm>>, %arg6: memref<20224x128xf32, #tpu.memory_space<hbm>>, %arg7: memref<79x128xi32, #tpu.memory_space<vmem>>, %arg8: memref<79x128xi32, #tpu.memory_space<vmem>>, %arg9: memref<128x128xf32, #tpu.memory_space<vmem>>, %arg10: memref<10112x128xf32, #tpu.memory_space<vmem_shared>>, %arg11: memref<!tpu.dma_semaphore, #tpu.memory_space<semaphore_mem>>) attributes {dimension_semantics = [#tpu.dimension_semantics<core_parallel>, #tpu.dimension_semantics<subcore_parallel>], iteration_bounds = array<i64: 2, 16>, scalar_prefetch = 0 : i64, scratch_operands = 5 : i64, tpu.core_type = #tpu.core_type<sc_vector_subcore>, window_params = [{transform_indices = #map}, {transform_indices = #map1}, {transform_indices = #map1}, {transform_indices = #map}, {transform_indices = #map}]} {
    %mul3A = arith.constant 2 : i32
    %mul3A_0 = arith.muli %arg1, %mul3A : i32
    %add3A = arith.addi %mul3A_0, %arg0 : i32
    %mul3A_1 = arith.constant 632 : i32
    %mul3A_2 = arith.muli %arg1, %mul3A_1 : i32
    "tpu.region"() ({
      %run_scoped3A = tpu.sem_alloc : memref<!tpu.dma_semaphore, #tpu.memory_space<semaphore_mem>>
      %dma_start3A = arith.constant 0 : i32
      %dma_start3A_16 = tpu.memref_slice %arg10[%mul3A_2, %dma_start3A] : memref<10112x128xf32, #tpu.memory_space<vmem_shared>> -> memref<632x128xf32, #tpu.memory_space<vmem_shared>>
      tpu.enqueue_dma source(%arg5 : memref<632x128xf32, #tpu.memory_space<hbm>>) target(%dma_start3A_16 : memref<632x128xf32, #tpu.memory_space<vmem_shared>>) target_semaphore(%run_scoped3A : memref<!tpu.dma_semaphore, #tpu.memory_space<semaphore_mem>>)
      %dma_wait3A = arith.constant 0 : i32
      %dma_wait3A_17 = tpu.memref_slice %arg10[%mul3A_2, %dma_wait3A] : memref<10112x128xf32, #tpu.memory_space<vmem_shared>> -> memref<632x128xf32, #tpu.memory_space<vmem_shared>>
      tpu.wait_dma2 semaphore(%run_scoped3A : memref<!tpu.dma_semaphore, #tpu.memory_space<semaphore_mem>>) src(%arg5 : memref<632x128xf32, #tpu.memory_space<hbm>>) dst(%dma_wait3A_17 : memref<632x128xf32, #tpu.memory_space<vmem_shared>>)
      tpu.yield
    }) : () -> ()
    "tpu.region"() ({
      %run_scoped3A = tpu.sem_alloc : memref<!tpu.dma_semaphore, #tpu.memory_space<semaphore_mem>>
      %dma_start3A = arith.constant 0 : i32
      %dma_start3A_16 = arith.constant 0 : i32
      %dma_start3A_17 = tpu.memref_slice %arg3[%add3A, %dma_start3A, %dma_start3A_16] : memref<32x79x128xi32, #tpu.memory_space<hbm>> -> memref<1x79x128xi32, #tpu.memory_space<hbm>>
      %dma_start3A_18 = tpu.memref_squeeze %dma_start3A_17 : memref<1x79x128xi32, #tpu.memory_space<hbm>> -> memref<79x128xi32, #tpu.memory_space<hbm>>
      %dma_start3A_19 = arith.constant 0 : i32
      %dma_start3A_20 = arith.constant 0 : i32
      %dma_start3A_21 = tpu.memref_slice %arg3[%add3A, %dma_start3A_19, %dma_start3A_20] : memref<32x79x128xi32, #tpu.memory_space<hbm>> -> memref<1x79x128xi32, #tpu.memory_space<hbm>>
      %dma_start3A_22 = tpu.memref_squeeze %dma_start3A_21 : memref<1x79x128xi32, #tpu.memory_space<hbm>> -> memref<79x128xi32, #tpu.memory_space<hbm>>
      tpu.enqueue_dma source(%dma_start3A_22 : memref<79x128xi32, #tpu.memory_space<hbm>>) target(%arg7 : memref<79x128xi32, #tpu.memory_space<vmem>>) target_semaphore(%run_scoped3A : memref<!tpu.dma_semaphore, #tpu.memory_space<semaphore_mem>>)
      %dma_wait3A = arith.constant 0 : i32
      %dma_wait3A_23 = arith.constant 0 : i32
      %dma_wait3A_24 = tpu.memref_slice %arg3[%add3A, %dma_wait3A, %dma_wait3A_23] : memref<32x79x128xi32, #tpu.memory_space<hbm>> -> memref<1x79x128xi32, #tpu.memory_space<hbm>>
      %dma_wait3A_25 = tpu.memref_squeeze %dma_wait3A_24 : memref<1x79x128xi32, #tpu.memory_space<hbm>> -> memref<79x128xi32, #tpu.memory_space<hbm>>
      %dma_wait3A_26 = arith.constant 0 : i32
      %dma_wait3A_27 = arith.constant 0 : i32
      %dma_wait3A_28 = tpu.memref_slice %arg3[%add3A, %dma_wait3A_26, %dma_wait3A_27] : memref<32x79x128xi32, #tpu.memory_space<hbm>> -> memref<1x79x128xi32, #tpu.memory_space<hbm>>
      %dma_wait3A_29 = tpu.memref_squeeze %dma_wait3A_28 : memref<1x79x128xi32, #tpu.memory_space<hbm>> -> memref<79x128xi32, #tpu.memory_space<hbm>>
      tpu.wait_dma2 semaphore(%run_scoped3A : memref<!tpu.dma_semaphore, #tpu.memory_space<semaphore_mem>>) src(%dma_wait3A_29 : memref<79x128xi32, #tpu.memory_space<hbm>>) dst(%arg7 : memref<79x128xi32, #tpu.memory_space<vmem>>)
      tpu.yield
    }) : () -> ()
    "tpu.region"() ({
      %run_scoped3A = tpu.sem_alloc : memref<!tpu.dma_semaphore, #tpu.memory_space<semaphore_mem>>
      %dma_start3A = arith.constant 0 : i32
      %dma_start3A_16 = arith.constant 0 : i32
      %dma_start3A_17 = tpu.memref_slice %arg4[%add3A, %dma_start3A, %dma_start3A_16] : memref<32x79x128xi32, #tpu.memory_space<hbm>> -> memref<1x79x128xi32, #tpu.memory_space<hbm>>
      %dma_start3A_18 = tpu.memref_squeeze %dma_start3A_17 : memref<1x79x128xi32, #tpu.memory_space<hbm>> -> memref<79x128xi32, #tpu.memory_space<hbm>>
      %dma_start3A_19 = arith.constant 0 : i32
      %dma_start3A_20 = arith.constant 0 : i32
      %dma_start3A_21 = tpu.memref_slice %arg4[%add3A, %dma_start3A_19, %dma_start3A_20] : memref<32x79x128xi32, #tpu.memory_space<hbm>> -> memref<1x79x128xi32, #tpu.memory_space<hbm>>
      %dma_start3A_22 = tpu.memref_squeeze %dma_start3A_21 : memref<1x79x128xi32, #tpu.memory_space<hbm>> -> memref<79x128xi32, #tpu.memory_space<hbm>>
      tpu.enqueue_dma source(%dma_start3A_22 : memref<79x128xi32, #tpu.memory_space<hbm>>) target(%arg8 : memref<79x128xi32, #tpu.memory_space<vmem>>) target_semaphore(%run_scoped3A : memref<!tpu.dma_semaphore, #tpu.memory_space<semaphore_mem>>)
      %dma_wait3A = arith.constant 0 : i32
      %dma_wait3A_23 = arith.constant 0 : i32
      %dma_wait3A_24 = tpu.memref_slice %arg4[%add3A, %dma_wait3A, %dma_wait3A_23] : memref<32x79x128xi32, #tpu.memory_space<hbm>> -> memref<1x79x128xi32, #tpu.memory_space<hbm>>
      %dma_wait3A_25 = tpu.memref_squeeze %dma_wait3A_24 : memref<1x79x128xi32, #tpu.memory_space<hbm>> -> memref<79x128xi32, #tpu.memory_space<hbm>>
      %dma_wait3A_26 = arith.constant 0 : i32
      %dma_wait3A_27 = arith.constant 0 : i32
      %dma_wait3A_28 = tpu.memref_slice %arg4[%add3A, %dma_wait3A_26, %dma_wait3A_27] : memref<32x79x128xi32, #tpu.memory_space<hbm>> -> memref<1x79x128xi32, #tpu.memory_space<hbm>>
      %dma_wait3A_29 = tpu.memref_squeeze %dma_wait3A_28 : memref<1x79x128xi32, #tpu.memory_space<hbm>> -> memref<79x128xi32, #tpu.memory_space<hbm>>
      tpu.wait_dma2 semaphore(%run_scoped3A : memref<!tpu.dma_semaphore, #tpu.memory_space<semaphore_mem>>) src(%dma_wait3A_29 : memref<79x128xi32, #tpu.memory_space<hbm>>) dst(%arg8 : memref<79x128xi32, #tpu.memory_space<vmem>>)
      tpu.yield
    }) : () -> ()
    %barrier3A = arith.constant 0 : index
    tpu.barrier barrier_id(%barrier3A)
    %scan3A = arith.constant 0 : i32
    %scan3A_3 = arith.constant 0 : i32
    %scan3A_4 = arith.constant 79 : i32
    %scan3A_5 = arith.addi %scan3A_3, %scan3A_4 : i32
    %scan3A_6 = arith.constant 1 : i32
    scf.for %scan3A_16 = %scan3A_3 to %scan3A_5 step %scan3A_6  : i32 {
      %dma_start3A = arith.constant 0 : i32
      %dma_start3A_17 = tpu.memref_slice %arg7[%scan3A_16, %dma_start3A] : memref<79x128xi32, #tpu.memory_space<vmem>> -> memref<1x128xi32, #tpu.memory_space<vmem>>
      %dma_start3A_18 = tpu.memref_squeeze %dma_start3A_17 : memref<1x128xi32, #tpu.memory_space<vmem>> -> memref<128xi32, #tpu.memory_space<vmem>>
      %dma_start3A_19 = arith.constant 0 : i32
      %dma_start3A_20 = arith.constant 0 : i32
      %dma_start3A_21 = tpu.memref_slice %arg2[%dma_start3A_19, %dma_start3A_20] : memref<30000x128xf32, #tpu.memory_space<hbm>> -> memref<30000x128xf32, #tpu.memory_space<hbm>>
      tpu.enqueue_indirect_dma source(%dma_start3A_21 : memref<30000x128xf32, #tpu.memory_space<hbm>>) target(%arg9 : memref<128x128xf32, #tpu.memory_space<vmem>>) offsets(%dma_start3A_18 : memref<128xi32, #tpu.memory_space<vmem>>) semaphore(%arg11 : memref<!tpu.dma_semaphore, #tpu.memory_space<semaphore_mem>>)
      %dma_wait3A = arith.constant 0 : i32
      %dma_wait3A_22 = tpu.memref_slice %arg7[%scan3A_16, %dma_wait3A] : memref<79x128xi32, #tpu.memory_space<vmem>> -> memref<1x128xi32, #tpu.memory_space<vmem>>
      %dma_wait3A_23 = tpu.memref_squeeze %dma_wait3A_22 : memref<1x128xi32, #tpu.memory_space<vmem>> -> memref<128xi32, #tpu.memory_space<vmem>>
      %dma_wait3A_24 = arith.constant 0 : i32
      %dma_wait3A_25 = arith.constant 0 : i32
      %dma_wait3A_26 = tpu.memref_slice %arg2[%dma_wait3A_24, %dma_wait3A_25] : memref<30000x128xf32, #tpu.memory_space<hbm>> -> memref<30000x128xf32, #tpu.memory_space<hbm>>
      tpu.wait_indirect_dma semaphore(%arg11 : memref<!tpu.dma_semaphore, #tpu.memory_space<semaphore_mem>>) src(%dma_wait3A_26 : memref<30000x128xf32, #tpu.memory_space<hbm>>) dst(%arg9 : memref<128x128xf32, #tpu.memory_space<vmem>>)
      "tpu.region"() ({
        %run_scoped3A = tpu.sem_alloc : memref<!tpu.dma_semaphore, #tpu.memory_space<semaphore_mem>>
        %dma_start3A_27 = arith.constant 0 : i32
        %dma_start3A_28 = tpu.memref_slice %arg8[%scan3A_16, %dma_start3A_27] : memref<79x128xi32, #tpu.memory_space<vmem>> -> memref<1x128xi32, #tpu.memory_space<vmem>>
        %dma_start3A_29 = tpu.memref_squeeze %dma_start3A_28 : memref<1x128xi32, #tpu.memory_space<vmem>> -> memref<128xi32, #tpu.memory_space<vmem>>
        %dma_start3A_30 = arith.constant 0 : i32
        %dma_start3A_31 = arith.constant 0 : i32
        %dma_start3A_32 = tpu.memref_slice %arg10[%dma_start3A_30, %dma_start3A_31] : memref<10112x128xf32, #tpu.memory_space<vmem_shared>> -> memref<10112x128xf32, #tpu.memory_space<vmem_shared>>
        tpu.enqueue_indirect_dma source(%arg9 : memref<128x128xf32, #tpu.memory_space<vmem>>) target(%dma_start3A_32 : memref<10112x128xf32, #tpu.memory_space<vmem_shared>>) offsets(%dma_start3A_29 : memref<128xi32, #tpu.memory_space<vmem>>) semaphore(%run_scoped3A : memref<!tpu.dma_semaphore, #tpu.memory_space<semaphore_mem>>) {add = true}
        %dma_wait3A_33 = arith.constant 0 : i32
        %dma_wait3A_34 = tpu.memref_slice %arg8[%scan3A_16, %dma_wait3A_33] : memref<79x128xi32, #tpu.memory_space<vmem>> -> memref<1x128xi32, #tpu.memory_space<vmem>>
        %dma_wait3A_35 = tpu.memref_squeeze %dma_wait3A_34 : memref<1x128xi32, #tpu.memory_space<vmem>> -> memref<128xi32, #tpu.memory_space<vmem>>
        %dma_wait3A_36 = arith.constant 0 : i32
        %dma_wait3A_37 = arith.constant 0 : i32
        %dma_wait3A_38 = tpu.memref_slice %arg10[%dma_wait3A_36, %dma_wait3A_37] : memref<10112x128xf32, #tpu.memory_space<vmem_shared>> -> memref<10112x128xf32, #tpu.memory_space<vmem_shared>>
        tpu.wait_indirect_dma semaphore(%run_scoped3A : memref<!tpu.dma_semaphore, #tpu.memory_space<semaphore_mem>>) src(%arg9 : memref<128x128xf32, #tpu.memory_space<vmem>>) dst(%dma_wait3A_38 : memref<10112x128xf32, #tpu.memory_space<vmem_shared>>)
        tpu.yield
      }) : () -> ()
    }
    %scan3A_7 = arith.constant 79 : i32
    %barrier3A_8 = arith.constant 0 : index
    tpu.barrier barrier_id(%barrier3A_8)
    %mul3A_9 = arith.constant 632 : i32
    %mul3A_10 = arith.muli %arg1, %mul3A_9 : i32
    %mul3A_11 = arith.constant 10112 : i32
    %mul3A_12 = arith.muli %arg0, %mul3A_11 : i32
    %mul3A_13 = arith.constant 632 : i32
    %mul3A_14 = arith.muli %arg1, %mul3A_13 : i32
    %add3A_15 = arith.addi %mul3A_12, %mul3A_14 : i32
    "tpu.region"() ({
      %run_scoped3A = tpu.sem_alloc : memref<!tpu.dma_semaphore, #tpu.memory_space<semaphore_mem>>
      %dma_start3A = arith.constant 0 : i32
      %dma_start3A_16 = tpu.memref_slice %arg6[%add3A_15, %dma_start3A] : memref<20224x128xf32, #tpu.memory_space<hbm>> -> memref<632x128xf32, #tpu.memory_space<hbm>>
      %dma_start3A_17 = arith.constant 0 : i32
      %dma_start3A_18 = tpu.memref_slice %arg10[%mul3A_10, %dma_start3A_17] : memref<10112x128xf32, #tpu.memory_space<vmem_shared>> -> memref<632x128xf32, #tpu.memory_space<vmem_shared>>
      tpu.enqueue_dma source(%dma_start3A_18 : memref<632x128xf32, #tpu.memory_space<vmem_shared>>) target(%dma_start3A_16 : memref<632x128xf32, #tpu.memory_space<hbm>>) target_semaphore(%run_scoped3A : memref<!tpu.dma_semaphore, #tpu.memory_space<semaphore_mem>>)
      %dma_wait3A = arith.constant 0 : i32
      %dma_wait3A_19 = tpu.memref_slice %arg6[%add3A_15, %dma_wait3A] : memref<20224x128xf32, #tpu.memory_space<hbm>> -> memref<632x128xf32, #tpu.memory_space<hbm>>
      %dma_wait3A_20 = arith.constant 0 : i32
      %dma_wait3A_21 = tpu.memref_slice %arg10[%mul3A_10, %dma_wait3A_20] : memref<10112x128xf32, #tpu.memory_space<vmem_shared>> -> memref<632x128xf32, #tpu.memory_space<vmem_shared>>
      tpu.wait_dma2 semaphore(%run_scoped3A : memref<!tpu.dma_semaphore, #tpu.memory_space<semaphore_mem>>) src(%dma_wait3A_21 : memref<632x128xf32, #tpu.memory_space<vmem_shared>>) dst(%dma_wait3A_19 : memref<632x128xf32, #tpu.memory_space<hbm>>)
      tpu.yield
    }) : () -> ()
    return
  }
}

#map = affine_map<(d0, d1) -> (0, 0)>
#map1 = affine_map<(d0, d1) -> (0, 0, 0)>
module attributes {stable_mosaic.version = 14 : i64} {
  func.func @k(%arg0: i32, %arg1: i32, %arg2: memref<30000x128xf32, #tpu.memory_space<hbm>>, %arg3: memref<32x79x128xi32, #tpu.memory_space<hbm>>, %arg4: memref<32x79x128xi32, #tpu.memory_space<hbm>>, %arg5: memref<632x128xf32, #tpu.memory_space<hbm>>, %arg6: memref<20224x128xf32, #tpu.memory_space<hbm>>, %arg7: memref<79x128xi32, #tpu.memory_space<vmem>>, %arg8: memref<79x128xi32, #tpu.memory_space<vmem>>, %arg9: memref<128x128xf32, #tpu.memory_space<vmem>>, %arg10: memref<10112x128xf32, #tpu.memory_space<vmem_shared>>, %arg11: memref<!tpu.dma_semaphore, #tpu.memory_space<semaphore_mem>>) attributes {dimension_semantics = [#tpu.dimension_semantics<core_parallel>, #tpu.dimension_semantics<subcore_parallel>], iteration_bounds = array<i64: 2, 16>, scalar_prefetch = 0 : i64, scratch_operands = 5 : i64, tpu.core_type = #tpu.core_type<sc_vector_subcore>, window_params = [{transform_indices = #map}, {transform_indices = #map1}, {transform_indices = #map1}, {transform_indices = #map}, {transform_indices = #map}]} {
    %mul3A = arith.constant 2 : i32
    %mul3A_0 = arith.muli %arg1, %mul3A : i32
    %add3A = arith.addi %mul3A_0, %arg0 : i32
    %mul3A_1 = arith.constant 632 : i32
    %mul3A_2 = arith.muli %arg1, %mul3A_1 : i32
    "tpu.region"() ({
      %run_scoped3A = tpu.sem_alloc : memref<!tpu.dma_semaphore, #tpu.memory_space<semaphore_mem>>
      %dma_start3A = arith.constant 0 : i32
      %dma_start3A_16 = tpu.memref_slice %arg10[%mul3A_2, %dma_start3A] : memref<10112x128xf32, #tpu.memory_space<vmem_shared>> -> memref<632x128xf32, #tpu.memory_space<vmem_shared>>
      tpu.enqueue_dma source(%arg5 : memref<632x128xf32, #tpu.memory_space<hbm>>) target(%dma_start3A_16 : memref<632x128xf32, #tpu.memory_space<vmem_shared>>) target_semaphore(%run_scoped3A : memref<!tpu.dma_semaphore, #tpu.memory_space<semaphore_mem>>)
      %dma_wait3A = arith.constant 0 : i32
      %dma_wait3A_17 = tpu.memref_slice %arg10[%mul3A_2, %dma_wait3A] : memref<10112x128xf32, #tpu.memory_space<vmem_shared>> -> memref<632x128xf32, #tpu.memory_space<vmem_shared>>
      tpu.wait_dma2 semaphore(%run_scoped3A : memref<!tpu.dma_semaphore, #tpu.memory_space<semaphore_mem>>) src(%arg5 : memref<632x128xf32, #tpu.memory_space<hbm>>) dst(%dma_wait3A_17 : memref<632x128xf32, #tpu.memory_space<vmem_shared>>)
      tpu.yield
    }) : () -> ()
    "tpu.region"() ({
      %run_scoped3A = tpu.sem_alloc : memref<!tpu.dma_semaphore, #tpu.memory_space<semaphore_mem>>
      %dma_start3A = arith.constant 0 : i32
      %dma_start3A_16 = arith.constant 0 : i32
      %dma_start3A_17 = tpu.memref_slice %arg3[%add3A, %dma_start3A, %dma_start3A_16] : memref<32x79x128xi32, #tpu.memory_space<hbm>> -> memref<1x79x128xi32, #tpu.memory_space<hbm>>
      %dma_start3A_18 = tpu.memref_squeeze %dma_start3A_17 : memref<1x79x128xi32, #tpu.memory_space<hbm>> -> memref<79x128xi32, #tpu.memory_space<hbm>>
      %dma_start3A_19 = arith.constant 0 : i32
      %dma_start3A_20 = arith.constant 0 : i32
      %dma_start3A_21 = tpu.memref_slice %arg3[%add3A, %dma_start3A_19, %dma_start3A_20] : memref<32x79x128xi32, #tpu.memory_space<hbm>> -> memref<1x79x128xi32, #tpu.memory_space<hbm>>
      %dma_start3A_22 = tpu.memref_squeeze %dma_start3A_21 : memref<1x79x128xi32, #tpu.memory_space<hbm>> -> memref<79x128xi32, #tpu.memory_space<hbm>>
      tpu.enqueue_dma source(%dma_start3A_22 : memref<79x128xi32, #tpu.memory_space<hbm>>) target(%arg7 : memref<79x128xi32, #tpu.memory_space<vmem>>) target_semaphore(%run_scoped3A : memref<!tpu.dma_semaphore, #tpu.memory_space<semaphore_mem>>)
      %dma_wait3A = arith.constant 0 : i32
      %dma_wait3A_23 = arith.constant 0 : i32
      %dma_wait3A_24 = tpu.memref_slice %arg3[%add3A, %dma_wait3A, %dma_wait3A_23] : memref<32x79x128xi32, #tpu.memory_space<hbm>> -> memref<1x79x128xi32, #tpu.memory_space<hbm>>
      %dma_wait3A_25 = tpu.memref_squeeze %dma_wait3A_24 : memref<1x79x128xi32, #tpu.memory_space<hbm>> -> memref<79x128xi32, #tpu.memory_space<hbm>>
      %dma_wait3A_26 = arith.constant 0 : i32
      %dma_wait3A_27 = arith.constant 0 : i32
      %dma_wait3A_28 = tpu.memref_slice %arg3[%add3A, %dma_wait3A_26, %dma_wait3A_27] : memref<32x79x128xi32, #tpu.memory_space<hbm>> -> memref<1x79x128xi32, #tpu.memory_space<hbm>>
      %dma_wait3A_29 = tpu.memref_squeeze %dma_wait3A_28 : memref<1x79x128xi32, #tpu.memory_space<hbm>> -> memref<79x128xi32, #tpu.memory_space<hbm>>
      tpu.wait_dma2 semaphore(%run_scoped3A : memref<!tpu.dma_semaphore, #tpu.memory_space<semaphore_mem>>) src(%dma_wait3A_29 : memref<79x128xi32, #tpu.memory_space<hbm>>) dst(%arg7 : memref<79x128xi32, #tpu.memory_space<vmem>>)
      tpu.yield
    }) : () -> ()
    "tpu.region"() ({
      %run_scoped3A = tpu.sem_alloc : memref<!tpu.dma_semaphore, #tpu.memory_space<semaphore_mem>>
      %dma_start3A = arith.constant 0 : i32
      %dma_start3A_16 = arith.constant 0 : i32
      %dma_start3A_17 = tpu.memref_slice %arg4[%add3A, %dma_start3A, %dma_start3A_16] : memref<32x79x128xi32, #tpu.memory_space<hbm>> -> memref<1x79x128xi32, #tpu.memory_space<hbm>>
      %dma_start3A_18 = tpu.memref_squeeze %dma_start3A_17 : memref<1x79x128xi32, #tpu.memory_space<hbm>> -> memref<79x128xi32, #tpu.memory_space<hbm>>
      %dma_start3A_19 = arith.constant 0 : i32
      %dma_start3A_20 = arith.constant 0 : i32
      %dma_start3A_21 = tpu.memref_slice %arg4[%add3A, %dma_start3A_19, %dma_start3A_20] : memref<32x79x128xi32, #tpu.memory_space<hbm>> -> memref<1x79x128xi32, #tpu.memory_space<hbm>>
      %dma_start3A_22 = tpu.memref_squeeze %dma_start3A_21 : memref<1x79x128xi32, #tpu.memory_space<hbm>> -> memref<79x128xi32, #tpu.memory_space<hbm>>
      tpu.enqueue_dma source(%dma_start3A_22 : memref<79x128xi32, #tpu.memory_space<hbm>>) target(%arg8 : memref<79x128xi32, #tpu.memory_space<vmem>>) target_semaphore(%run_scoped3A : memref<!tpu.dma_semaphore, #tpu.memory_space<semaphore_mem>>)
      %dma_wait3A = arith.constant 0 : i32
      %dma_wait3A_23 = arith.constant 0 : i32
      %dma_wait3A_24 = tpu.memref_slice %arg4[%add3A, %dma_wait3A, %dma_wait3A_23] : memref<32x79x128xi32, #tpu.memory_space<hbm>> -> memref<1x79x128xi32, #tpu.memory_space<hbm>>
      %dma_wait3A_25 = tpu.memref_squeeze %dma_wait3A_24 : memref<1x79x128xi32, #tpu.memory_space<hbm>> -> memref<79x128xi32, #tpu.memory_space<hbm>>
      %dma_wait3A_26 = arith.constant 0 : i32
      %dma_wait3A_27 = arith.constant 0 : i32
      %dma_wait3A_28 = tpu.memref_slice %arg4[%add3A, %dma_wait3A_26, %dma_wait3A_27] : memref<32x79x128xi32, #tpu.memory_space<hbm>> -> memref<1x79x128xi32, #tpu.memory_space<hbm>>
      %dma_wait3A_29 = tpu.memref_squeeze %dma_wait3A_28 : memref<1x79x128xi32, #tpu.memory_space<hbm>> -> memref<79x128xi32, #tpu.memory_space<hbm>>
      tpu.wait_dma2 semaphore(%run_scoped3A : memref<!tpu.dma_semaphore, #tpu.memory_space<semaphore_mem>>) src(%dma_wait3A_29 : memref<79x128xi32, #tpu.memory_space<hbm>>) dst(%arg8 : memref<79x128xi32, #tpu.memory_space<vmem>>)
      tpu.yield
    }) : () -> ()
    %barrier3A = arith.constant 0 : index
    tpu.barrier barrier_id(%barrier3A)
    %scan3A = arith.constant 0 : i32
    %scan3A_3 = arith.constant 0 : i32
    %scan3A_4 = arith.constant 79 : i32
    %scan3A_5 = arith.addi %scan3A_3, %scan3A_4 : i32
    %scan3A_6 = arith.constant 1 : i32
    scf.for %scan3A_16 = %scan3A_3 to %scan3A_5 step %scan3A_6  : i32 {
      %dma_start3A = arith.constant 0 : i32
      %dma_start3A_17 = tpu.memref_slice %arg7[%scan3A_16, %dma_start3A] : memref<79x128xi32, #tpu.memory_space<vmem>> -> memref<1x128xi32, #tpu.memory_space<vmem>>
      %dma_start3A_18 = tpu.memref_squeeze %dma_start3A_17 : memref<1x128xi32, #tpu.memory_space<vmem>> -> memref<128xi32, #tpu.memory_space<vmem>>
      %dma_start3A_19 = arith.constant 0 : i32
      %dma_start3A_20 = arith.constant 0 : i32
      %dma_start3A_21 = tpu.memref_slice %arg2[%dma_start3A_19, %dma_start3A_20] : memref<30000x128xf32, #tpu.memory_space<hbm>> -> memref<30000x128xf32, #tpu.memory_space<hbm>>
      tpu.enqueue_indirect_dma source(%dma_start3A_21 : memref<30000x128xf32, #tpu.memory_space<hbm>>) target(%arg9 : memref<128x128xf32, #tpu.memory_space<vmem>>) offsets(%dma_start3A_18 : memref<128xi32, #tpu.memory_space<vmem>>) semaphore(%arg11 : memref<!tpu.dma_semaphore, #tpu.memory_space<semaphore_mem>>)
      %dma_wait3A = arith.constant 0 : i32
      %dma_wait3A_22 = tpu.memref_slice %arg7[%scan3A_16, %dma_wait3A] : memref<79x128xi32, #tpu.memory_space<vmem>> -> memref<1x128xi32, #tpu.memory_space<vmem>>
      %dma_wait3A_23 = tpu.memref_squeeze %dma_wait3A_22 : memref<1x128xi32, #tpu.memory_space<vmem>> -> memref<128xi32, #tpu.memory_space<vmem>>
      %dma_wait3A_24 = arith.constant 0 : i32
      %dma_wait3A_25 = arith.constant 0 : i32
      %dma_wait3A_26 = tpu.memref_slice %arg2[%dma_wait3A_24, %dma_wait3A_25] : memref<30000x128xf32, #tpu.memory_space<hbm>> -> memref<30000x128xf32, #tpu.memory_space<hbm>>
      tpu.wait_indirect_dma semaphore(%arg11 : memref<!tpu.dma_semaphore, #tpu.memory_space<semaphore_mem>>) src(%dma_wait3A_26 : memref<30000x128xf32, #tpu.memory_space<hbm>>) dst(%arg9 : memref<128x128xf32, #tpu.memory_space<vmem>>)
      "tpu.region"() ({
        %run_scoped3A = tpu.sem_alloc : memref<!tpu.dma_semaphore, #tpu.memory_space<semaphore_mem>>
        %dma_start3A_27 = arith.constant 0 : i32
        %dma_start3A_28 = tpu.memref_slice %arg8[%scan3A_16, %dma_start3A_27] : memref<79x128xi32, #tpu.memory_space<vmem>> -> memref<1x128xi32, #tpu.memory_space<vmem>>
        %dma_start3A_29 = tpu.memref_squeeze %dma_start3A_28 : memref<1x128xi32, #tpu.memory_space<vmem>> -> memref<128xi32, #tpu.memory_space<vmem>>
        %dma_start3A_30 = arith.constant 0 : i32
        %dma_start3A_31 = arith.constant 0 : i32
        %dma_start3A_32 = tpu.memref_slice %arg10[%dma_start3A_30, %dma_start3A_31] : memref<10112x128xf32, #tpu.memory_space<vmem_shared>> -> memref<10112x128xf32, #tpu.memory_space<vmem_shared>>
        tpu.enqueue_indirect_dma source(%arg9 : memref<128x128xf32, #tpu.memory_space<vmem>>) target(%dma_start3A_32 : memref<10112x128xf32, #tpu.memory_space<vmem_shared>>) offsets(%dma_start3A_29 : memref<128xi32, #tpu.memory_space<vmem>>) semaphore(%run_scoped3A : memref<!tpu.dma_semaphore, #tpu.memory_space<semaphore_mem>>) {add = true}
        %dma_wait3A_33 = arith.constant 0 : i32
        %dma_wait3A_34 = tpu.memref_slice %arg8[%scan3A_16, %dma_wait3A_33] : memref<79x128xi32, #tpu.memory_space<vmem>> -> memref<1x128xi32, #tpu.memory_space<vmem>>
        %dma_wait3A_35 = tpu.memref_squeeze %dma_wait3A_34 : memref<1x128xi32, #tpu.memory_space<vmem>> -> memref<128xi32, #tpu.memory_space<vmem>>
        %dma_wait3A_36 = arith.constant 0 : i32
        %dma_wait3A_37 = arith.constant 0 : i32
        %dma_wait3A_38 = tpu.memref_slice %arg10[%dma_wait3A_36, %dma_wait3A_37] : memref<10112x128xf32, #tpu.memory_space<vmem_shared>> -> memref<10112x128xf32, #tpu.memory_space<vmem_shared>>
        tpu.wait_indirect_dma semaphore(%run_scoped3A : memref<!tpu.dma_semaphore, #tpu.memory_space<semaphore_mem>>) src(%arg9 : memref<128x128xf32, #tpu.memory_space<vmem>>) dst(%dma_wait3A_38 : memref<10112x128xf32, #tpu.memory_space<vmem_shared>>)
        tpu.yield
      }) : () -> ()
    }
    %scan3A_7 = arith.constant 79 : i32
    %barrier3A_8 = arith.constant 0 : index
    tpu.barrier barrier_id(%barrier3A_8)
    %mul3A_9 = arith.constant 632 : i32
    %mul3A_10 = arith.muli %arg1, %mul3A_9 : i32
    %mul3A_11 = arith.constant 10112 : i32
    %mul3A_12 = arith.muli %arg0, %mul3A_11 : i32
    %mul3A_13 = arith.constant 632 : i32
    %mul3A_14 = arith.muli %arg1, %mul3A_13 : i32
    %add3A_15 = arith.addi %mul3A_12, %mul3A_14 : i32
    "tpu.region"() ({
      %run_scoped3A = tpu.sem_alloc : memref<!tpu.dma_semaphore, #tpu.memory_space<semaphore_mem>>
      %dma_start3A = arith.constant 0 : i32
      %dma_start3A_16 = tpu.memref_slice %arg6[%add3A_15, %dma_start3A] : memref<20224x128xf32, #tpu.memory_space<hbm>> -> memref<632x128xf32, #tpu.memory_space<hbm>>
      %dma_start3A_17 = arith.constant 0 : i32
      %dma_start3A_18 = tpu.memref_slice %arg10[%mul3A_10, %dma_start3A_17] : memref<10112x128xf32, #tpu.memory_space<vmem_shared>> -> memref<632x128xf32, #tpu.memory_space<vmem_shared>>
      tpu.enqueue_dma source(%dma_start3A_18 : memref<632x128xf32, #tpu.memory_space<vmem_shared>>) target(%dma_start3A_16 : memref<632x128xf32, #tpu.memory_space<hbm>>) target_semaphore(%run_scoped3A : memref<!tpu.dma_semaphore, #tpu.memory_space<semaphore_mem>>)
      %dma_wait3A = arith.constant 0 : i32
      %dma_wait3A_19 = tpu.memref_slice %arg6[%add3A_15, %dma_wait3A] : memref<20224x128xf32, #tpu.memory_space<hbm>> -> memref<632x128xf32, #tpu.memory_space<hbm>>
      %dma_wait3A_20 = arith.constant 0 : i32
      %dma_wait3A_21 = tpu.memref_slice %arg10[%mul3A_10, %dma_wait3A_20] : memref<10112x128xf32, #tpu.memory_space<vmem_shared>> -> memref<632x128xf32, #tpu.memory_space<vmem_shared>>
      tpu.wait_dma2 semaphore(%run_scoped3A : memref<!tpu.dma_semaphore, #tpu.memory_space<semaphore_mem>>) src(%dma_wait3A_21 : memref<632x128xf32, #tpu.memory_space<vmem_shared>>) dst(%dma_wait3A_19 : memref<632x128xf32, #tpu.memory_space<hbm>>)
      tpu.yield
    }) : () -> ()
    return
  }
}

module attributes {stable_mosaic.version = 14 : i64} {
  func.func @_first_body(%arg0: i32, %arg1: memref<1000x128xf32, #tpu.memory_space<vmem>>, %arg2: memref<3x128x128xf32, #tpu.memory_space<vmem>>, %arg3: memref<3x1x128xf32, #tpu.memory_space<vmem>>, %arg4: memref<128x128xf32, #tpu.memory_space<vmem>>, %arg5: memref<1x128xf32, #tpu.memory_space<vmem>>, %arg6: memref<3x1000x128xf32, #tpu.memory_space<vmem>>, %arg7: memref<1000x128xf32, #tpu.memory_space<vmem>>) attributes {dimension_semantics = [#tpu.dimension_semantics<arbitrary>], iteration_bounds = array<i64: 10>, scalar_prefetch = 0 : i64, scratch_operands = 0 : i64, tpu.core_type = #tpu.core_type<tc>, window_params = [{transform_indices = @transform_0, window_bounds = array<i64: 1000, 128>}, {pipeline_mode = #tpu.pipeline_mode<synchronous>, transform_indices = @transform_1, window_bounds = array<i64: 3, 128, 128>}, {pipeline_mode = #tpu.pipeline_mode<synchronous>, transform_indices = @transform_2, window_bounds = array<i64: 3, 1, 128>}, {pipeline_mode = #tpu.pipeline_mode<synchronous>, transform_indices = @transform_3, window_bounds = array<i64: 128, 128>}, {pipeline_mode = #tpu.pipeline_mode<synchronous>, transform_indices = @transform_4, window_bounds = array<i64: 1, 128>}, {transform_indices = @transform_5, window_bounds = array<i64: 3, 1000, 128>}, {transform_indices = @transform_6, window_bounds = array<i64: 1000, 128>}]} {
    %get3A = arith.constant 0 : index
    %get3A_0 = arith.constant 0 : index
    %get3A_1 = vector.load %arg1[%get3A, %get3A_0] : memref<1000x128xf32, #tpu.memory_space<vmem>>, vector<1000x128xf32>
    %get3A_2 = arith.constant 0 : index
    %get3A_3 = arith.constant 0 : index
    %get3A_4 = vector.load %arg4[%get3A_2, %get3A_3] : memref<128x128xf32, #tpu.memory_space<vmem>>, vector<128x128xf32>
    %dot_general3A = arith.constant dense<0.000000e+00> : vector<1000x128xf32>
    %dot_general3A_5 = tpu.matmul %get3A_1, %get3A_4, %dot_general3A {dimension_numbers = #tpu.dot_dimension_numbers<[1], [0], [0], [1], [0, 0, 1, 1], [], []>, transpose_lhs_hint = false} : vector<1000x128xf32>, vector<128x128xf32>, vector<1000x128xf32> -> vector<1000x128xf32>
    %get3A_6 = arith.constant 0 : index
    %get3A_7 = arith.constant 0 : index
    %get3A_8 = vector.load %arg5[%get3A_6, %get3A_7] : memref<1x128xf32, #tpu.memory_space<vmem>>, vector<1x128xf32>
    %add3A = vector.broadcast %get3A_8 : vector<1x128xf32> to vector<1000x128xf32>
    %add3A_9 = arith.addf %dot_general3A_5, %add3A : vector<1000x128xf32>
    %swap3A = arith.constant 0 : index
    %swap3A_10 = arith.constant 0 : index
    %swap3A_11 = vector.load %arg7[%swap3A, %swap3A_10] : memref<1000x128xf32, #tpu.memory_space<vmem>>, vector<1000x128xf32>
    tpu.vector_store %arg7[%swap3A, %swap3A_10], %add3A_9 {strides = array<i32>} : memref<1000x128xf32, #tpu.memory_space<vmem>>, vector<1000x128xf32>,
    %get3A_12 = arith.constant 0 : index
    %get3A_13 = arith.constant 0 : index
    %get3A_14 = arith.constant 0 : index
    %get3A_15 = vector.load %arg3[%get3A_12, %get3A_13, %get3A_14] : memref<3x1x128xf32, #tpu.memory_space<vmem>>, vector<1x1x128xf32>
    %get3A_16 = vector.shape_cast %get3A_15 : vector<1x1x128xf32> to vector<1x128xf32>
    %mul3A = vector.broadcast %get3A_16 : vector<1x128xf32> to vector<1000x128xf32>
    %mul3A_17 = arith.mulf %get3A_1, %mul3A : vector<1000x128xf32>
    %reduce_sum3A = arith.constant dense<0.000000e+00> : vector<1000xf32>
    %reduce_sum3A_18 = vector.multi_reduction <add>, %mul3A_17, %reduce_sum3A [1] : vector<1000x128xf32> to vector<1000xf32>
    %broadcast_in_dim3A = vector.shape_cast %reduce_sum3A_18 : vector<1000xf32> to vector<1000x1xf32>
    %logistic3A = arith.negf %broadcast_in_dim3A : vector<1000x1xf32>
    %logistic3A_19 = math.exp %logistic3A : vector<1000x1xf32>
    %logistic3A_20 = arith.constant 1.000000e+00 : f32
    %logistic3A_21 = vector.broadcast %logistic3A_20 : f32 to vector<1000x1xf32>
    %logistic3A_22 = arith.addf %logistic3A_21, %logistic3A_19 : vector<1000x1xf32>
    %logistic3A_23 = arith.divf %logistic3A_21, %logistic3A_22 : vector<1000x1xf32>
    %get3A_24 = arith.constant 0 : index
    %get3A_25 = arith.constant 0 : index
    %get3A_26 = arith.constant 0 : index
    %get3A_27 = vector.load %arg2[%get3A_24, %get3A_25, %get3A_26] : memref<3x128x128xf32, #tpu.memory_space<vmem>>, vector<1x128x128xf32>
    %get3A_28 = vector.shape_cast %get3A_27 : vector<1x128x128xf32> to vector<128x128xf32>
    %dot_general3A_29 = arith.constant dense<0.000000e+00> : vector<1000x128xf32>
    %dot_general3A_30 = tpu.matmul %get3A_1, %get3A_28, %dot_general3A_29 {dimension_numbers = #tpu.dot_dimension_numbers<[1], [0], [0], [1], [0, 0, 1, 1], [], []>, transpose_lhs_hint = false} : vector<1000x128xf32>, vector<128x128xf32>, vector<1000x128xf32> -> vector<1000x128xf32>
    %mul3A_31 = vector.broadcast %logistic3A_23 : vector<1000x1xf32> to vector<1000x128xf32>
    %mul3A_32 = arith.mulf %mul3A_31, %dot_general3A_30 : vector<1000x128xf32>
    %swap3A_33 = arith.constant 0 : index
    %swap3A_34 = arith.constant 0 : index
    %swap3A_35 = arith.constant 0 : index
    %swap3A_36 = vector.load %arg6[%swap3A_33, %swap3A_34, %swap3A_35] : memref<3x1000x128xf32, #tpu.memory_space<vmem>>, vector<1x1000x128xf32>
    %swap3A_37 = vector.shape_cast %swap3A_36 : vector<1x1000x128xf32> to vector<1000x128xf32>
    %swap3A_38 = vector.shape_cast %mul3A_32 : vector<1000x128xf32> to vector<1x1000x128xf32>
    tpu.vector_store %arg6[%swap3A_33, %swap3A_34, %swap3A_35], %swap3A_38 {strides = array<i32>} : memref<3x1000x128xf32, #tpu.memory_space<vmem>>, vector<1x1000x128xf32>,
    %get3A_39 = arith.constant 1 : index
    %get3A_40 = arith.constant 0 : index
    %get3A_41 = arith.constant 0 : index
    %get3A_42 = vector.load %arg3[%get3A_39, %get3A_40, %get3A_41] : memref<3x1x128xf32, #tpu.memory_space<vmem>>, vector<1x1x128xf32>
    %get3A_43 = vector.shape_cast %get3A_42 : vector<1x1x128xf32> to vector<1x128xf32>
    %mul3A_44 = vector.broadcast %get3A_43 : vector<1x128xf32> to vector<1000x128xf32>
    %mul3A_45 = arith.mulf %get3A_1, %mul3A_44 : vector<1000x128xf32>
    %reduce_sum3A_46 = arith.constant dense<0.000000e+00> : vector<1000xf32>
    %reduce_sum3A_47 = vector.multi_reduction <add>, %mul3A_45, %reduce_sum3A_46 [1] : vector<1000x128xf32> to vector<1000xf32>
    %broadcast_in_dim3A_48 = vector.shape_cast %reduce_sum3A_47 : vector<1000xf32> to vector<1000x1xf32>
    %logistic3A_49 = arith.negf %broadcast_in_dim3A_48 : vector<1000x1xf32>
    %logistic3A_50 = math.exp %logistic3A_49 : vector<1000x1xf32>
    %logistic3A_51 = arith.constant 1.000000e+00 : f32
    %logistic3A_52 = vector.broadcast %logistic3A_51 : f32 to vector<1000x1xf32>
    %logistic3A_53 = arith.addf %logistic3A_52, %logistic3A_50 : vector<1000x1xf32>
    %logistic3A_54 = arith.divf %logistic3A_52, %logistic3A_53 : vector<1000x1xf32>
    %get3A_55 = arith.constant 1 : index
    %get3A_56 = arith.constant 0 : index
    %get3A_57 = arith.constant 0 : index
    %get3A_58 = vector.load %arg2[%get3A_55, %get3A_56, %get3A_57] : memref<3x128x128xf32, #tpu.memory_space<vmem>>, vector<1x128x128xf32>
    %get3A_59 = vector.shape_cast %get3A_58 : vector<1x128x128xf32> to vector<128x128xf32>
    %dot_general3A_60 = arith.constant dense<0.000000e+00> : vector<1000x128xf32>
    %dot_general3A_61 = tpu.matmul %get3A_1, %get3A_59, %dot_general3A_60 {dimension_numbers = #tpu.dot_dimension_numbers<[1], [0], [0], [1], [0, 0, 1, 1], [], []>, transpose_lhs_hint = false} : vector<1000x128xf32>, vector<128x128xf32>, vector<1000x128xf32> -> vector<1000x128xf32>
    %mul3A_62 = vector.broadcast %logistic3A_54 : vector<1000x1xf32> to vector<1000x128xf32>
    %mul3A_63 = arith.mulf %mul3A_62, %dot_general3A_61 : vector<1000x128xf32>
    %swap3A_64 = arith.constant 1 : index
    %swap3A_65 = arith.constant 0 : index
    %swap3A_66 = arith.constant 0 : index
    %swap3A_67 = vector.load %arg6[%swap3A_64, %swap3A_65, %swap3A_66] : memref<3x1000x128xf32, #tpu.memory_space<vmem>>, vector<1x1000x128xf32>
    %swap3A_68 = vector.shape_cast %swap3A_67 : vector<1x1000x128xf32> to vector<1000x128xf32>
    %swap3A_69 = vector.shape_cast %mul3A_63 : vector<1000x128xf32> to vector<1x1000x128xf32>
    tpu.vector_store %arg6[%swap3A_64, %swap3A_65, %swap3A_66], %swap3A_69 {strides = array<i32>} : memref<3x1000x128xf32, #tpu.memory_space<vmem>>, vector<1x1000x128xf32>,
    %get3A_70 = arith.constant 2 : index
    %get3A_71 = arith.constant 0 : index
    %get3A_72 = arith.constant 0 : index
    %get3A_73 = vector.load %arg3[%get3A_70, %get3A_71, %get3A_72] : memref<3x1x128xf32, #tpu.memory_space<vmem>>, vector<1x1x128xf32>
    %get3A_74 = vector.shape_cast %get3A_73 : vector<1x1x128xf32> to vector<1x128xf32>
    %mul3A_75 = vector.broadcast %get3A_74 : vector<1x128xf32> to vector<1000x128xf32>
    %mul3A_76 = arith.mulf %get3A_1, %mul3A_75 : vector<1000x128xf32>
    %reduce_sum3A_77 = arith.constant dense<0.000000e+00> : vector<1000xf32>
    %reduce_sum3A_78 = vector.multi_reduction <add>, %mul3A_76, %reduce_sum3A_77 [1] : vector<1000x128xf32> to vector<1000xf32>
    %broadcast_in_dim3A_79 = vector.shape_cast %reduce_sum3A_78 : vector<1000xf32> to vector<1000x1xf32>
    %logistic3A_80 = arith.negf %broadcast_in_dim3A_79 : vector<1000x1xf32>
    %logistic3A_81 = math.exp %logistic3A_80 : vector<1000x1xf32>
    %logistic3A_82 = arith.constant 1.000000e+00 : f32
    %logistic3A_83 = vector.broadcast %logistic3A_82 : f32 to vector<1000x1xf32>
    %logistic3A_84 = arith.addf %logistic3A_83, %logistic3A_81 : vector<1000x1xf32>
    %logistic3A_85 = arith.divf %logistic3A_83, %logistic3A_84 : vector<1000x1xf32>
    %get3A_86 = arith.constant 2 : index
    %get3A_87 = arith.constant 0 : index
    %get3A_88 = arith.constant 0 : index
    %get3A_89 = vector.load %arg2[%get3A_86, %get3A_87, %get3A_88] : memref<3x128x128xf32, #tpu.memory_space<vmem>>, vector<1x128x128xf32>
    %get3A_90 = vector.shape_cast %get3A_89 : vector<1x128x128xf32> to vector<128x128xf32>
    %dot_general3A_91 = arith.constant dense<0.000000e+00> : vector<1000x128xf32>
    %dot_general3A_92 = tpu.matmul %get3A_1, %get3A_90, %dot_general3A_91 {dimension_numbers = #tpu.dot_dimension_numbers<[1], [0], [0], [1], [0, 0, 1, 1], [], []>, transpose_lhs_hint = false} : vector<1000x128xf32>, vector<128x128xf32>, vector<1000x128xf32> -> vector<1000x128xf32>
    %mul3A_93 = vector.broadcast %logistic3A_85 : vector<1000x1xf32> to vector<1000x128xf32>
    %mul3A_94 = arith.mulf %mul3A_93, %dot_general3A_92 : vector<1000x128xf32>
    %swap3A_95 = arith.constant 2 : index
    %swap3A_96 = arith.constant 0 : index
    %swap3A_97 = arith.constant 0 : index
    %swap3A_98 = vector.load %arg6[%swap3A_95, %swap3A_96, %swap3A_97] : memref<3x1000x128xf32, #tpu.memory_space<vmem>>, vector<1x1000x128xf32>
    %swap3A_99 = vector.shape_cast %swap3A_98 : vector<1x1000x128xf32> to vector<1000x128xf32>
    %swap3A_100 = vector.shape_cast %mul3A_94 : vector<1000x128xf32> to vector<1x1000x128xf32>
    tpu.vector_store %arg6[%swap3A_95, %swap3A_96, %swap3A_97], %swap3A_100 {strides = array<i32>} : memref<3x1000x128xf32, #tpu.memory_space<vmem>>, vector<1x1000x128xf32>,
    return
  }
  func.func @transform_0(%arg0: i32) -> (i32, i32) {
    %c0_i32 = arith.constant 0 : i32
    %c0_i32_0 = arith.constant 0 : i32
    return %arg0, %c0_i32 : i32, i32
  }
  func.func @transform_1(%arg0: i32) -> (i32, i32, i32) {
    %c0_i32 = arith.constant 0 : i32
    %c0_i32_0 = arith.constant 0 : i32
    %c0_i32_1 = arith.constant 0 : i32
    %c0_i32_2 = arith.constant 0 : i32
    return %c0_i32, %c0_i32_0, %c0_i32_1 : i32, i32, i32
  }
  func.func @transform_2(%arg0: i32) -> (i32, i32, i32) {
    %c0_i32 = arith.constant 0 : i32
    %c0_i32_0 = arith.constant 0 : i32
    %c0_i32_1 = arith.constant 0 : i32
    %c0_i32_2 = arith.constant 0 : i32
    return %c0_i32, %c0_i32_0, %c0_i32_1 : i32, i32, i32
  }
  func.func @transform_3(%arg0: i32) -> (i32, i32) {
    %c0_i32 = arith.constant 0 : i32
    %c0_i32_0 = arith.constant 0 : i32
    %c0_i32_1 = arith.constant 0 : i32
    return %c0_i32, %c0_i32_0 : i32, i32
  }
  func.func @transform_4(%arg0: i32) -> (i32, i32) {
    %c0_i32 = arith.constant 0 : i32
    %c0_i32_0 = arith.constant 0 : i32
    %c0_i32_1 = arith.constant 0 : i32
    return %c0_i32, %c0_i32_0 : i32, i32
  }
  func.func @transform_5(%arg0: i32) -> (i32, i32, i32) {
    %c0_i32 = arith.constant 0 : i32
    %c0_i32_0 = arith.constant 0 : i32
    %c0_i32_1 = arith.constant 0 : i32
    return %c0_i32, %arg0, %c0_i32_0 : i32, i32, i32
  }
  func.func @transform_6(%arg0: i32) -> (i32, i32) {
    %c0_i32 = arith.constant 0 : i32
    %c0_i32_0 = arith.constant 0 : i32
    return %arg0, %c0_i32 : i32, i32
  }
}

module attributes {stable_mosaic.version = 14 : i64} {
  func.func @_mid_body(%arg0: i32, %arg1: memref<2x1000x128xf32, #tpu.memory_space<vmem>>, %arg2: memref<1000x128xf32, #tpu.memory_space<vmem>>, %arg3: memref<3x128x128xf32, #tpu.memory_space<vmem>>, %arg4: memref<3x1x128xf32, #tpu.memory_space<vmem>>, %arg5: memref<128x128xf32, #tpu.memory_space<vmem>>, %arg6: memref<1x128xf32, #tpu.memory_space<vmem>>, %arg7: memref<3x1000x128xf32, #tpu.memory_space<vmem>>, %arg8: memref<1000x128xf32, #tpu.memory_space<vmem>>, %arg9: memref<1000x128xf32, #tpu.memory_space<vmem>>) attributes {dimension_semantics = [#tpu.dimension_semantics<arbitrary>], iteration_bounds = array<i64: 10>, scalar_prefetch = 0 : i64, scratch_operands = 0 : i64, tpu.core_type = #tpu.core_type<tc>, window_params = [{transform_indices = @transform_0, window_bounds = array<i64: 2, 1000, 128>}, {transform_indices = @transform_1, window_bounds = array<i64: 1000, 128>}, {pipeline_mode = #tpu.pipeline_mode<synchronous>, transform_indices = @transform_2, window_bounds = array<i64: 3, 128, 128>}, {pipeline_mode = #tpu.pipeline_mode<synchronous>, transform_indices = @transform_3, window_bounds = array<i64: 3, 1, 128>}, {pipeline_mode = #tpu.pipeline_mode<synchronous>, transform_indices = @transform_4, window_bounds = array<i64: 128, 128>}, {pipeline_mode = #tpu.pipeline_mode<synchronous>, transform_indices = @transform_5, window_bounds = array<i64: 1, 128>}, {transform_indices = @transform_6, window_bounds = array<i64: 3, 1000, 128>}, {transform_indices = @transform_7, window_bounds = array<i64: 1000, 128>}, {transform_indices = @transform_8, window_bounds = array<i64: 1000, 128>}]} {
    %get3A = arith.constant 0 : index
    %get3A_0 = arith.constant 0 : index
    %get3A_1 = arith.constant 0 : index
    %get3A_2 = vector.load %arg1[%get3A, %get3A_0, %get3A_1] : memref<2x1000x128xf32, #tpu.memory_space<vmem>>, vector<1x1000x128xf32>
    %get3A_3 = vector.shape_cast %get3A_2 : vector<1x1000x128xf32> to vector<1000x128xf32>
    %get3A_4 = arith.constant 1 : index
    %get3A_5 = arith.constant 0 : index
    %get3A_6 = arith.constant 0 : index
    %get3A_7 = vector.load %arg1[%get3A_4, %get3A_5, %get3A_6] : memref<2x1000x128xf32, #tpu.memory_space<vmem>>, vector<1x1000x128xf32>
    %get3A_8 = vector.shape_cast %get3A_7 : vector<1x1000x128xf32> to vector<1000x128xf32>
    %add3A = arith.addf %get3A_3, %get3A_8 : vector<1000x128xf32>
    %get3A_9 = arith.constant 0 : index
    %get3A_10 = arith.constant 0 : index
    %get3A_11 = vector.load %arg2[%get3A_9, %get3A_10] : memref<1000x128xf32, #tpu.memory_space<vmem>>, vector<1000x128xf32>
    %add3A_12 = arith.addf %add3A, %get3A_11 : vector<1000x128xf32>
    %tanh3A = math.tanh %add3A_12 : vector<1000x128xf32>
    %swap3A = arith.constant 0 : index
    %swap3A_13 = arith.constant 0 : index
    %swap3A_14 = vector.load %arg9[%swap3A, %swap3A_13] : memref<1000x128xf32, #tpu.memory_space<vmem>>, vector<1000x128xf32>
    tpu.vector_store %arg9[%swap3A, %swap3A_13], %tanh3A {strides = array<i32>} : memref<1000x128xf32, #tpu.memory_space<vmem>>, vector<1000x128xf32>,
    %get3A_15 = arith.constant 0 : index
    %get3A_16 = arith.constant 0 : index
    %get3A_17 = vector.load %arg5[%get3A_15, %get3A_16] : memref<128x128xf32, #tpu.memory_space<vmem>>, vector<128x128xf32>
    %dot_general3A = arith.constant dense<0.000000e+00> : vector<1000x128xf32>
    %dot_general3A_18 = tpu.matmul %tanh3A, %get3A_17, %dot_general3A {dimension_numbers = #tpu.dot_dimension_numbers<[1], [0], [0], [1], [0, 0, 1, 1], [], []>, transpose_lhs_hint = false} : vector<1000x128xf32>, vector<128x128xf32>, vector<1000x128xf32> -> vector<1000x128xf32>
    %get3A_19 = arith.constant 0 : index
    %get3A_20 = arith.constant 0 : index
    %get3A_21 = vector.load %arg6[%get3A_19, %get3A_20] : memref<1x128xf32, #tpu.memory_space<vmem>>, vector<1x128xf32>
    %add3A_22 = vector.broadcast %get3A_21 : vector<1x128xf32> to vector<1000x128xf32>
    %add3A_23 = arith.addf %dot_general3A_18, %add3A_22 : vector<1000x128xf32>
    %swap3A_24 = arith.constant 0 : index
    %swap3A_25 = arith.constant 0 : index
    %swap3A_26 = vector.load %arg8[%swap3A_24, %swap3A_25] : memref<1000x128xf32, #tpu.memory_space<vmem>>, vector<1000x128xf32>
    tpu.vector_store %arg8[%swap3A_24, %swap3A_25], %add3A_23 {strides = array<i32>} : memref<1000x128xf32, #tpu.memory_space<vmem>>, vector<1000x128xf32>,
    %get3A_27 = arith.constant 0 : index
    %get3A_28 = arith.constant 0 : index
    %get3A_29 = arith.constant 0 : index
    %get3A_30 = vector.load %arg4[%get3A_27, %get3A_28, %get3A_29] : memref<3x1x128xf32, #tpu.memory_space<vmem>>, vector<1x1x128xf32>
    %get3A_31 = vector.shape_cast %get3A_30 : vector<1x1x128xf32> to vector<1x128xf32>
    %mul3A = vector.broadcast %get3A_31 : vector<1x128xf32> to vector<1000x128xf32>
    %mul3A_32 = arith.mulf %tanh3A, %mul3A : vector<1000x128xf32>
    %reduce_sum3A = arith.constant dense<0.000000e+00> : vector<1000xf32>
    %reduce_sum3A_33 = vector.multi_reduction <add>, %mul3A_32, %reduce_sum3A [1] : vector<1000x128xf32> to vector<1000xf32>
    %broadcast_in_dim3A = vector.shape_cast %reduce_sum3A_33 : vector<1000xf32> to vector<1000x1xf32>
    %logistic3A = arith.negf %broadcast_in_dim3A : vector<1000x1xf32>
    %logistic3A_34 = math.exp %logistic3A : vector<1000x1xf32>
    %logistic3A_35 = arith.constant 1.000000e+00 : f32
    %logistic3A_36 = vector.broadcast %logistic3A_35 : f32 to vector<1000x1xf32>
    %logistic3A_37 = arith.addf %logistic3A_36, %logistic3A_34 : vector<1000x1xf32>
    %logistic3A_38 = arith.divf %logistic3A_36, %logistic3A_37 : vector<1000x1xf32>
    %get3A_39 = arith.constant 0 : index
    %get3A_40 = arith.constant 0 : index
    %get3A_41 = arith.constant 0 : index
    %get3A_42 = vector.load %arg3[%get3A_39, %get3A_40, %get3A_41] : memref<3x128x128xf32, #tpu.memory_space<vmem>>, vector<1x128x128xf32>
    %get3A_43 = vector.shape_cast %get3A_42 : vector<1x128x128xf32> to vector<128x128xf32>
    %dot_general3A_44 = arith.constant dense<0.000000e+00> : vector<1000x128xf32>
    %dot_general3A_45 = tpu.matmul %tanh3A, %get3A_43, %dot_general3A_44 {dimension_numbers = #tpu.dot_dimension_numbers<[1], [0], [0], [1], [0, 0, 1, 1], [], []>, transpose_lhs_hint = false} : vector<1000x128xf32>, vector<128x128xf32>, vector<1000x128xf32> -> vector<1000x128xf32>
    %mul3A_46 = vector.broadcast %logistic3A_38 : vector<1000x1xf32> to vector<1000x128xf32>
    %mul3A_47 = arith.mulf %mul3A_46, %dot_general3A_45 : vector<1000x128xf32>
    %swap3A_48 = arith.constant 0 : index
    %swap3A_49 = arith.constant 0 : index
    %swap3A_50 = arith.constant 0 : index
    %swap3A_51 = vector.load %arg7[%swap3A_48, %swap3A_49, %swap3A_50] : memref<3x1000x128xf32, #tpu.memory_space<vmem>>, vector<1x1000x128xf32>
    %swap3A_52 = vector.shape_cast %swap3A_51 : vector<1x1000x128xf32> to vector<1000x128xf32>
    %swap3A_53 = vector.shape_cast %mul3A_47 : vector<1000x128xf32> to vector<1x1000x128xf32>
    tpu.vector_store %arg7[%swap3A_48, %swap3A_49, %swap3A_50], %swap3A_53 {strides = array<i32>} : memref<3x1000x128xf32, #tpu.memory_space<vmem>>, vector<1x1000x128xf32>,
    %get3A_54 = arith.constant 1 : index
    %get3A_55 = arith.constant 0 : index
    %get3A_56 = arith.constant 0 : index
    %get3A_57 = vector.load %arg4[%get3A_54, %get3A_55, %get3A_56] : memref<3x1x128xf32, #tpu.memory_space<vmem>>, vector<1x1x128xf32>
    %get3A_58 = vector.shape_cast %get3A_57 : vector<1x1x128xf32> to vector<1x128xf32>
    %mul3A_59 = vector.broadcast %get3A_58 : vector<1x128xf32> to vector<1000x128xf32>
    %mul3A_60 = arith.mulf %tanh3A, %mul3A_59 : vector<1000x128xf32>
    %reduce_sum3A_61 = arith.constant dense<0.000000e+00> : vector<1000xf32>
    %reduce_sum3A_62 = vector.multi_reduction <add>, %mul3A_60, %reduce_sum3A_61 [1] : vector<1000x128xf32> to vector<1000xf32>
    %broadcast_in_dim3A_63 = vector.shape_cast %reduce_sum3A_62 : vector<1000xf32> to vector<1000x1xf32>
    %logistic3A_64 = arith.negf %broadcast_in_dim3A_63 : vector<1000x1xf32>
    %logistic3A_65 = math.exp %logistic3A_64 : vector<1000x1xf32>
    %logistic3A_66 = arith.constant 1.000000e+00 : f32
    %logistic3A_67 = vector.broadcast %logistic3A_66 : f32 to vector<1000x1xf32>
    %logistic3A_68 = arith.addf %logistic3A_67, %logistic3A_65 : vector<1000x1xf32>
    %logistic3A_69 = arith.divf %logistic3A_67, %logistic3A_68 : vector<1000x1xf32>
    %get3A_70 = arith.constant 1 : index
    %get3A_71 = arith.constant 0 : index
    %get3A_72 = arith.constant 0 : index
    %get3A_73 = vector.load %arg3[%get3A_70, %get3A_71, %get3A_72] : memref<3x128x128xf32, #tpu.memory_space<vmem>>, vector<1x128x128xf32>
    %get3A_74 = vector.shape_cast %get3A_73 : vector<1x128x128xf32> to vector<128x128xf32>
    %dot_general3A_75 = arith.constant dense<0.000000e+00> : vector<1000x128xf32>
    %dot_general3A_76 = tpu.matmul %tanh3A, %get3A_74, %dot_general3A_75 {dimension_numbers = #tpu.dot_dimension_numbers<[1], [0], [0], [1], [0, 0, 1, 1], [], []>, transpose_lhs_hint = false} : vector<1000x128xf32>, vector<128x128xf32>, vector<1000x128xf32> -> vector<1000x128xf32>
    %mul3A_77 = vector.broadcast %logistic3A_69 : vector<1000x1xf32> to vector<1000x128xf32>
    %mul3A_78 = arith.mulf %mul3A_77, %dot_general3A_76 : vector<1000x128xf32>
    %swap3A_79 = arith.constant 1 : index
    %swap3A_80 = arith.constant 0 : index
    %swap3A_81 = arith.constant 0 : index
    %swap3A_82 = vector.load %arg7[%swap3A_79, %swap3A_80, %swap3A_81] : memref<3x1000x128xf32, #tpu.memory_space<vmem>>, vector<1x1000x128xf32>
    %swap3A_83 = vector.shape_cast %swap3A_82 : vector<1x1000x128xf32> to vector<1000x128xf32>
    %swap3A_84 = vector.shape_cast %mul3A_78 : vector<1000x128xf32> to vector<1x1000x128xf32>
    tpu.vector_store %arg7[%swap3A_79, %swap3A_80, %swap3A_81], %swap3A_84 {strides = array<i32>} : memref<3x1000x128xf32, #tpu.memory_space<vmem>>, vector<1x1000x128xf32>,
    %get3A_85 = arith.constant 2 : index
    %get3A_86 = arith.constant 0 : index
    %get3A_87 = arith.constant 0 : index
    %get3A_88 = vector.load %arg4[%get3A_85, %get3A_86, %get3A_87] : memref<3x1x128xf32, #tpu.memory_space<vmem>>, vector<1x1x128xf32>
    %get3A_89 = vector.shape_cast %get3A_88 : vector<1x1x128xf32> to vector<1x128xf32>
    %mul3A_90 = vector.broadcast %get3A_89 : vector<1x128xf32> to vector<1000x128xf32>
    %mul3A_91 = arith.mulf %tanh3A, %mul3A_90 : vector<1000x128xf32>
    %reduce_sum3A_92 = arith.constant dense<0.000000e+00> : vector<1000xf32>
    %reduce_sum3A_93 = vector.multi_reduction <add>, %mul3A_91, %reduce_sum3A_92 [1] : vector<1000x128xf32> to vector<1000xf32>
    %broadcast_in_dim3A_94 = vector.shape_cast %reduce_sum3A_93 : vector<1000xf32> to vector<1000x1xf32>
    %logistic3A_95 = arith.negf %broadcast_in_dim3A_94 : vector<1000x1xf32>
    %logistic3A_96 = math.exp %logistic3A_95 : vector<1000x1xf32>
    %logistic3A_97 = arith.constant 1.000000e+00 : f32
    %logistic3A_98 = vector.broadcast %logistic3A_97 : f32 to vector<1000x1xf32>
    %logistic3A_99 = arith.addf %logistic3A_98, %logistic3A_96 : vector<1000x1xf32>
    %logistic3A_100 = arith.divf %logistic3A_98, %logistic3A_99 : vector<1000x1xf32>
    %get3A_101 = arith.constant 2 : index
    %get3A_102 = arith.constant 0 : index
    %get3A_103 = arith.constant 0 : index
    %get3A_104 = vector.load %arg3[%get3A_101, %get3A_102, %get3A_103] : memref<3x128x128xf32, #tpu.memory_space<vmem>>, vector<1x128x128xf32>
    %get3A_105 = vector.shape_cast %get3A_104 : vector<1x128x128xf32> to vector<128x128xf32>
    %dot_general3A_106 = arith.constant dense<0.000000e+00> : vector<1000x128xf32>
    %dot_general3A_107 = tpu.matmul %tanh3A, %get3A_105, %dot_general3A_106 {dimension_numbers = #tpu.dot_dimension_numbers<[1], [0], [0], [1], [0, 0, 1, 1], [], []>, transpose_lhs_hint = false} : vector<1000x128xf32>, vector<128x128xf32>, vector<1000x128xf32> -> vector<1000x128xf32>
    %mul3A_108 = vector.broadcast %logistic3A_100 : vector<1000x1xf32> to vector<1000x128xf32>
    %mul3A_109 = arith.mulf %mul3A_108, %dot_general3A_107 : vector<1000x128xf32>
    %swap3A_110 = arith.constant 2 : index
    %swap3A_111 = arith.constant 0 : index
    %swap3A_112 = arith.constant 0 : index
    %swap3A_113 = vector.load %arg7[%swap3A_110, %swap3A_111, %swap3A_112] : memref<3x1000x128xf32, #tpu.memory_space<vmem>>, vector<1x1000x128xf32>
    %swap3A_114 = vector.shape_cast %swap3A_113 : vector<1x1000x128xf32> to vector<1000x128xf32>
    %swap3A_115 = vector.shape_cast %mul3A_109 : vector<1000x128xf32> to vector<1x1000x128xf32>
    tpu.vector_store %arg7[%swap3A_110, %swap3A_111, %swap3A_112], %swap3A_115 {strides = array<i32>} : memref<3x1000x128xf32, #tpu.memory_space<vmem>>, vector<1x1000x128xf32>,
    return
  }
  func.func @transform_0(%arg0: i32) -> (i32, i32, i32) {
    %c0_i32 = arith.constant 0 : i32
    %c0_i32_0 = arith.constant 0 : i32
    %c0_i32_1 = arith.constant 0 : i32
    return %c0_i32, %arg0, %c0_i32_0 : i32, i32, i32
  }
  func.func @transform_1(%arg0: i32) -> (i32, i32) {
    %c0_i32 = arith.constant 0 : i32
    %c0_i32_0 = arith.constant 0 : i32
    return %arg0, %c0_i32 : i32, i32
  }
  func.func @transform_2(%arg0: i32) -> (i32, i32, i32) {
    %c0_i32 = arith.constant 0 : i32
    %c0_i32_0 = arith.constant 0 : i32
    %c0_i32_1 = arith.constant 0 : i32
    %c0_i32_2 = arith.constant 0 : i32
    return %c0_i32, %c0_i32_0, %c0_i32_1 : i32, i32, i32
  }
  func.func @transform_3(%arg0: i32) -> (i32, i32, i32) {
    %c0_i32 = arith.constant 0 : i32
    %c0_i32_0 = arith.constant 0 : i32
    %c0_i32_1 = arith.constant 0 : i32
    %c0_i32_2 = arith.constant 0 : i32
    return %c0_i32, %c0_i32_0, %c0_i32_1 : i32, i32, i32
  }
  func.func @transform_4(%arg0: i32) -> (i32, i32) {
    %c0_i32 = arith.constant 0 : i32
    %c0_i32_0 = arith.constant 0 : i32
    %c0_i32_1 = arith.constant 0 : i32
    return %c0_i32, %c0_i32_0 : i32, i32
  }
  func.func @transform_5(%arg0: i32) -> (i32, i32) {
    %c0_i32 = arith.constant 0 : i32
    %c0_i32_0 = arith.constant 0 : i32
    %c0_i32_1 = arith.constant 0 : i32
    return %c0_i32, %c0_i32_0 : i32, i32
  }
  func.func @transform_6(%arg0: i32) -> (i32, i32, i32) {
    %c0_i32 = arith.constant 0 : i32
    %c0_i32_0 = arith.constant 0 : i32
    %c0_i32_1 = arith.constant 0 : i32
    return %c0_i32, %arg0, %c0_i32_0 : i32, i32, i32
  }
  func.func @transform_7(%arg0: i32) -> (i32, i32) {
    %c0_i32 = arith.constant 0 : i32
    %c0_i32_0 = arith.constant 0 : i32
    return %arg0, %c0_i32 : i32, i32
  }
  func.func @transform_8(%arg0: i32) -> (i32, i32) {
    %c0_i32 = arith.constant 0 : i32
    %c0_i32_0 = arith.constant 0 : i32
    return %arg0, %c0_i32 : i32, i32
  }
}

module attributes {stable_mosaic.version = 14 : i64} {
  func.func @_tail_body(%arg0: memref<2x10000x128xf32, #tpu.memory_space<vmem>>, %arg1: memref<10000x128xf32, #tpu.memory_space<vmem>>, %arg2: memref<300x128xf32, #tpu.memory_space<vmem>>, %arg3: memref<1x128xf32, #tpu.memory_space<vmem>>, %arg4: memref<256x1xf32, #tpu.memory_space<vmem>>, %arg5: memref<1x1xf32, #tpu.memory_space<vmem>>, %arg6: memref<384x128xf32, #tpu.memory_space<vmem>>, %arg7: memref<1x128xf32, #tpu.memory_space<vmem>>, %arg8: memref<128x128xf32, #tpu.memory_space<vmem>>, %arg9: memref<1x128xf32, #tpu.memory_space<vmem>>, %arg10: memref<128x128xf32, #tpu.memory_space<vmem>>, %arg11: memref<1x128xf32, #tpu.memory_space<vmem>>, %arg12: memref<128x128xf32, #tpu.memory_space<vmem>>, %arg13: memref<1x128xf32, #tpu.memory_space<vmem>>, %arg14: memref<128x1xf32, #tpu.memory_space<vmem>>, %arg15: memref<1x1xf32, #tpu.memory_space<vmem>>, %arg16: memref<1x300xf32, #tpu.memory_space<vmem>>, %arg17: memref<1x300xf32, #tpu.memory_space<vmem>>, %arg18: memref<20x300xf32, #tpu.memory_space<vmem>>, %arg19: memref<20x1xf32, #tpu.memory_space<vmem>>) attributes {dimension_semantics = [], scalar_prefetch = 0 : i64, scratch_operands = 0 : i64, tpu.core_type = #tpu.core_type<tc>} {
    %get3A = arith.constant 0 : index
    %get3A_0 = arith.constant 0 : index
    %get3A_1 = arith.constant 0 : index
    %get3A_2 = vector.load %arg0[%get3A, %get3A_0, %get3A_1] : memref<2x10000x128xf32, #tpu.memory_space<vmem>>, vector<1x10000x128xf32>
    %get3A_3 = vector.shape_cast %get3A_2 : vector<1x10000x128xf32> to vector<10000x128xf32>
    %get3A_4 = arith.constant 1 : index
    %get3A_5 = arith.constant 0 : index
    %get3A_6 = arith.constant 0 : index
    %get3A_7 = vector.load %arg0[%get3A_4, %get3A_5, %get3A_6] : memref<2x10000x128xf32, #tpu.memory_space<vmem>>, vector<1x10000x128xf32>
    %get3A_8 = vector.shape_cast %get3A_7 : vector<1x10000x128xf32> to vector<10000x128xf32>
    %add3A = arith.addf %get3A_3, %get3A_8 : vector<10000x128xf32>
    %get3A_9 = arith.constant 0 : index
    %get3A_10 = arith.constant 0 : index
    %get3A_11 = vector.load %arg1[%get3A_9, %get3A_10] : memref<10000x128xf32, #tpu.memory_space<vmem>>, vector<10000x128xf32>
    %add3A_12 = arith.addf %add3A, %get3A_11 : vector<10000x128xf32>
    %tanh3A = math.tanh %add3A_12 : vector<10000x128xf32>
    %get3A_13 = arith.constant 0 : index
    %get3A_14 = arith.constant 0 : index
    %get3A_15 = vector.load %arg2[%get3A_13, %get3A_14] : memref<300x128xf32, #tpu.memory_space<vmem>>, vector<300x128xf32>
    %get3A_16 = arith.constant 0 : index
    %get3A_17 = arith.constant 0 : index
    %get3A_18 = vector.load %arg3[%get3A_16, %get3A_17] : memref<1x128xf32, #tpu.memory_space<vmem>>, vector<1x128xf32>
    %get3A_19 = arith.constant 0 : index
    %get3A_20 = arith.constant 0 : index
    %get3A_21 = vector.load %arg4[%get3A_19, %get3A_20] : memref<256x1xf32, #tpu.memory_space<vmem>>, vector<256x1xf32>
    %get3A_22 = arith.constant 0 : index
    %get3A_23 = arith.constant 0 : index
    %get3A_24 = vector.load %arg17[%get3A_22, %get3A_23] : memref<1x300xf32, #tpu.memory_space<vmem>>, vector<1x300xf32>
    %dot_general3A = arith.constant dense<0.000000e+00> : vector<1x128xf32>
    %dot_general3A_25 = tpu.matmul %get3A_24, %get3A_15, %dot_general3A {dimension_numbers = #tpu.dot_dimension_numbers<[1], [0], [0], [1], [0, 0, 1, 1], [], []>, transpose_lhs_hint = false} : vector<1x300xf32>, vector<300x128xf32>, vector<1x128xf32> -> vector<1x128xf32>
    %add3A_26 = arith.addf %dot_general3A_25, %get3A_18 : vector<1x128xf32>
    %tanh3A_27 = math.tanh %add3A_26 : vector<1x128xf32>
    %slice3A = vector.extract_strided_slice %get3A_21 {offsets = [0, 0], sizes = [128, 1], strides = [1, 1]} : vector<256x1xf32> to vector<128x1xf32>
    %dot_general3A_28 = arith.constant dense<0.000000e+00> : vector<10000x1xf32>
    %dot_general3A_29 = tpu.matmul %tanh3A, %slice3A, %dot_general3A_28 {dimension_numbers = #tpu.dot_dimension_numbers<[1], [0], [0], [1], [0, 0, 1, 1], [], []>, transpose_lhs_hint = false} : vector<10000x128xf32>, vector<128x1xf32>, vector<10000x1xf32> -> vector<10000x1xf32>
    %slice3A_30 = vector.extract_strided_slice %get3A_21 {offsets = [128, 0], sizes = [128, 1], strides = [1, 1]} : vector<256x1xf32> to vector<128x1xf32>
    %dot_general3A_31 = arith.constant dense<0.000000e+00> : vector<1x1xf32>
    %dot_general3A_32 = tpu.matmul %tanh3A_27, %slice3A_30, %dot_general3A_31 {dimension_numbers = #tpu.dot_dimension_numbers<[1], [0], [0], [1], [0, 0, 1, 1], [], []>, transpose_lhs_hint = false} : vector<1x128xf32>, vector<128x1xf32>, vector<1x1xf32> -> vector<1x1xf32>
    %add3A_33 = vector.broadcast %dot_general3A_32 : vector<1x1xf32> to vector<10000x1xf32>
    %add3A_34 = arith.addf %dot_general3A_29, %add3A_33 : vector<10000x1xf32>
    %get3A_35 = arith.constant 0 : index
    %get3A_36 = arith.constant 0 : index
    %get3A_37 = vector.load %arg5[%get3A_35, %get3A_36] : memref<1x1xf32, #tpu.memory_space<vmem>>, vector<1x1xf32>
    %add3A_38 = vector.broadcast %get3A_37 : vector<1x1xf32> to vector<10000x1xf32>
    %add3A_39 = arith.addf %add3A_34, %add3A_38 : vector<10000x1xf32>
    %reduce_max3A = vector.shape_cast %add3A_39 : vector<10000x1xf32> to vector<1x10000x1xf32>
    %reduce_max3A_40 = arith.constant dense<0xFF800000> : vector<1xf32>
    %reduce_max3A_41 = vector.multi_reduction <maximumf>, %reduce_max3A, %reduce_max3A_40 [1, 2] : vector<1x10000x1xf32> to vector<1xf32>
    %reduce_max3A_42 = vector.shape_cast %reduce_max3A_41 : vector<1xf32> to vector<1x1x1xf32>
    %reduce_max3A_43 = vector.extract %reduce_max3A_42[0, 0, 0] : f32 from vector<1x1x1xf32>
    %sub3A = vector.broadcast %reduce_max3A_43 : f32 to vector<10000x1xf32>
    %sub3A_44 = arith.subf %add3A_39, %sub3A : vector<10000x1xf32>
    %exp3A = math.exp %sub3A_44 : vector<10000x1xf32>
    %reduce_sum3A = vector.shape_cast %exp3A : vector<10000x1xf32> to vector<1x10000x1xf32>
    %reduce_sum3A_45 = arith.constant dense<0.000000e+00> : vector<1xf32>
    %reduce_sum3A_46 = vector.multi_reduction <add>, %reduce_sum3A, %reduce_sum3A_45 [1, 2] : vector<1x10000x1xf32> to vector<1xf32>
    %reduce_sum3A_47 = vector.shape_cast %reduce_sum3A_46 : vector<1xf32> to vector<1x1x1xf32>
    %reduce_sum3A_48 = vector.extract %reduce_sum3A_47[0, 0, 0] : f32 from vector<1x1x1xf32>
    %div3A = vector.broadcast %reduce_sum3A_48 : f32 to vector<10000x1xf32>
    %div3A_49 = arith.divf %exp3A, %div3A : vector<10000x1xf32>
    %mul3A = vector.broadcast %div3A_49 : vector<10000x1xf32> to vector<10000x128xf32>
    %mul3A_50 = arith.mulf %mul3A, %tanh3A : vector<10000x128xf32>
    %reduce_sum3A_51 = arith.constant dense<0.000000e+00> : vector<128xf32>
    %reduce_sum3A_52 = vector.multi_reduction <add>, %mul3A_50, %reduce_sum3A_51 [0] : vector<10000x128xf32> to vector<128xf32>
    %broadcast_in_dim3A = vector.shape_cast %reduce_sum3A_52 : vector<128xf32> to vector<1x128xf32>
    %get3A_53 = arith.constant 0 : index
    %get3A_54 = arith.constant 0 : index
    %get3A_55 = vector.load %arg16[%get3A_53, %get3A_54] : memref<1x300xf32, #tpu.memory_space<vmem>>, vector<1x300xf32>
    %dot_general3A_56 = arith.constant dense<0.000000e+00> : vector<1x128xf32>
    %dot_general3A_57 = tpu.matmul %get3A_55, %get3A_15, %dot_general3A_56 {dimension_numbers = #tpu.dot_dimension_numbers<[1], [0], [0], [1], [0, 0, 1, 1], [], []>, transpose_lhs_hint = false} : vector<1x300xf32>, vector<300x128xf32>, vector<1x128xf32> -> vector<1x128xf32>
    %add3A_58 = arith.addf %dot_general3A_57, %get3A_18 : vector<1x128xf32>
    %tanh3A_59 = math.tanh %add3A_58 : vector<1x128xf32>
    %get3A_60 = arith.constant 0 : index
    %get3A_61 = arith.constant 0 : index
    %get3A_62 = vector.load %arg18[%get3A_60, %get3A_61] : memref<20x300xf32, #tpu.memory_space<vmem>>, vector<20x300xf32>
    %dot_general3A_63 = arith.constant dense<0.000000e+00> : vector<20x128xf32>
    %dot_general3A_64 = tpu.matmul %get3A_62, %get3A_15, %dot_general3A_63 {dimension_numbers = #tpu.dot_dimension_numbers<[1], [0], [0], [1], [0, 0, 1, 1], [], []>, transpose_lhs_hint = false} : vector<20x300xf32>, vector<300x128xf32>, vector<20x128xf32> -> vector<20x128xf32>
    %add3A_65 = vector.broadcast %get3A_18 : vector<1x128xf32> to vector<20x128xf32>
    %add3A_66 = arith.addf %dot_general3A_64, %add3A_65 : vector<20x128xf32>
    %tanh3A_67 = math.tanh %add3A_66 : vector<20x128xf32>
    %get3A_68 = arith.constant 0 : index
    %get3A_69 = arith.constant 0 : index
    %get3A_70 = vector.load %arg6[%get3A_68, %get3A_69] : memref<384x128xf32, #tpu.memory_space<vmem>>, vector<384x128xf32>
    %slice3A_71 = vector.extract_strided_slice %get3A_70 {offsets = [0, 0], sizes = [128, 128], strides = [1, 1]} : vector<384x128xf32> to vector<128x128xf32>
    %dot_general3A_72 = arith.constant dense<0.000000e+00> : vector<1x128xf32>
    %dot_general3A_73 = tpu.matmul %broadcast_in_dim3A, %slice3A_71, %dot_general3A_72 {dimension_numbers = #tpu.dot_dimension_numbers<[1], [0], [0], [1], [0, 0, 1, 1], [], []>, transpose_lhs_hint = false} : vector<1x128xf32>, vector<128x128xf32>, vector<1x128xf32> -> vector<1x128xf32>
    %slice3A_74 = vector.extract_strided_slice %get3A_70 {offsets = [128, 0], sizes = [128, 128], strides = [1, 1]} : vector<384x128xf32> to vector<128x128xf32>
    %dot_general3A_75 = arith.constant dense<0.000000e+00> : vector<1x128xf32>
    %dot_general3A_76 = tpu.matmul %tanh3A_59, %slice3A_74, %dot_general3A_75 {dimension_numbers = #tpu.dot_dimension_numbers<[1], [0], [0], [1], [0, 0, 1, 1], [], []>, transpose_lhs_hint = false} : vector<1x128xf32>, vector<128x128xf32>, vector<1x128xf32> -> vector<1x128xf32>
    %add3A_77 = arith.addf %dot_general3A_73, %dot_general3A_76 : vector<1x128xf32>
    %slice3A_78 = vector.extract_strided_slice %get3A_70 {offsets = [256, 0], sizes = [128, 128], strides = [1, 1]} : vector<384x128xf32> to vector<128x128xf32>
    %dot_general3A_79 = arith.constant dense<0.000000e+00> : vector<20x128xf32>
    %dot_general3A_80 = tpu.matmul %tanh3A_67, %slice3A_78, %dot_general3A_79 {dimension_numbers = #tpu.dot_dimension_numbers<[1], [0], [0], [1], [0, 0, 1, 1], [], []>, transpose_lhs_hint = false} : vector<20x128xf32>, vector<128x128xf32>, vector<20x128xf32> -> vector<20x128xf32>
    %add3A_81 = vector.broadcast %add3A_77 : vector<1x128xf32> to vector<20x128xf32>
    %add3A_82 = arith.addf %add3A_81, %dot_general3A_80 : vector<20x128xf32>
    %get3A_83 = arith.constant 0 : index
    %get3A_84 = arith.constant 0 : index
    %get3A_85 = vector.load %arg7[%get3A_83, %get3A_84] : memref<1x128xf32, #tpu.memory_space<vmem>>, vector<1x128xf32>
    %add3A_86 = vector.broadcast %get3A_85 : vector<1x128xf32> to vector<20x128xf32>
    %add3A_87 = arith.addf %add3A_82, %add3A_86 : vector<20x128xf32>
    %tanh3A_88 = math.tanh %add3A_87 : vector<20x128xf32>
    %get3A_89 = arith.constant 0 : index
    %get3A_90 = arith.constant 0 : index
    %get3A_91 = vector.load %arg8[%get3A_89, %get3A_90] : memref<128x128xf32, #tpu.memory_space<vmem>>, vector<128x128xf32>
    %dot_general3A_92 = arith.constant dense<0.000000e+00> : vector<20x128xf32>
    %dot_general3A_93 = tpu.matmul %tanh3A_88, %get3A_91, %dot_general3A_92 {dimension_numbers = #tpu.dot_dimension_numbers<[1], [0], [0], [1], [0, 0, 1, 1], [], []>, transpose_lhs_hint = false} : vector<20x128xf32>, vector<128x128xf32>, vector<20x128xf32> -> vector<20x128xf32>
    %get3A_94 = arith.constant 0 : index
    %get3A_95 = arith.constant 0 : index
    %get3A_96 = vector.load %arg9[%get3A_94, %get3A_95] : memref<1x128xf32, #tpu.memory_space<vmem>>, vector<1x128xf32>
    %add3A_97 = vector.broadcast %get3A_96 : vector<1x128xf32> to vector<20x128xf32>
    %add3A_98 = arith.addf %dot_general3A_93, %add3A_97 : vector<20x128xf32>
    %tanh3A_99 = math.tanh %add3A_98 : vector<20x128xf32>
    %get3A_100 = arith.constant 0 : index
    %get3A_101 = arith.constant 0 : index
    %get3A_102 = vector.load %arg10[%get3A_100, %get3A_101] : memref<128x128xf32, #tpu.memory_space<vmem>>, vector<128x128xf32>
    %dot_general3A_103 = arith.constant dense<0.000000e+00> : vector<20x128xf32>
    %dot_general3A_104 = tpu.matmul %tanh3A_99, %get3A_102, %dot_general3A_103 {dimension_numbers = #tpu.dot_dimension_numbers<[1], [0], [0], [1], [0, 0, 1, 1], [], []>, transpose_lhs_hint = false} : vector<20x128xf32>, vector<128x128xf32>, vector<20x128xf32> -> vector<20x128xf32>
    %get3A_105 = arith.constant 0 : index
    %get3A_106 = arith.constant 0 : index
    %get3A_107 = vector.load %arg11[%get3A_105, %get3A_106] : memref<1x128xf32, #tpu.memory_space<vmem>>, vector<1x128xf32>
    %add3A_108 = vector.broadcast %get3A_107 : vector<1x128xf32> to vector<20x128xf32>
    %add3A_109 = arith.addf %dot_general3A_104, %add3A_108 : vector<20x128xf32>
    %tanh3A_110 = math.tanh %add3A_109 : vector<20x128xf32>
    %get3A_111 = arith.constant 0 : index
    %get3A_112 = arith.constant 0 : index
    %get3A_113 = vector.load %arg12[%get3A_111, %get3A_112] : memref<128x128xf32, #tpu.memory_space<vmem>>, vector<128x128xf32>
    %dot_general3A_114 = arith.constant dense<0.000000e+00> : vector<20x128xf32>
    %dot_general3A_115 = tpu.matmul %tanh3A_110, %get3A_113, %dot_general3A_114 {dimension_numbers = #tpu.dot_dimension_numbers<[1], [0], [0], [1], [0, 0, 1, 1], [], []>, transpose_lhs_hint = false} : vector<20x128xf32>, vector<128x128xf32>, vector<20x128xf32> -> vector<20x128xf32>
    %get3A_116 = arith.constant 0 : index
    %get3A_117 = arith.constant 0 : index
    %get3A_118 = vector.load %arg13[%get3A_116, %get3A_117] : memref<1x128xf32, #tpu.memory_space<vmem>>, vector<1x128xf32>
    %add3A_119 = vector.broadcast %get3A_118 : vector<1x128xf32> to vector<20x128xf32>
    %add3A_120 = arith.addf %dot_general3A_115, %add3A_119 : vector<20x128xf32>
    %tanh3A_121 = math.tanh %add3A_120 : vector<20x128xf32>
    %get3A_122 = arith.constant 0 : index
    %get3A_123 = arith.constant 0 : index
    %get3A_124 = vector.load %arg14[%get3A_122, %get3A_123] : memref<128x1xf32, #tpu.memory_space<vmem>>, vector<128x1xf32>
    %dot_general3A_125 = arith.constant dense<0.000000e+00> : vector<20x1xf32>
    %dot_general3A_126 = tpu.matmul %tanh3A_121, %get3A_124, %dot_general3A_125 {dimension_numbers = #tpu.dot_dimension_numbers<[1], [0], [0], [1], [0, 0, 1, 1], [], []>, transpose_lhs_hint = false} : vector<20x128xf32>, vector<128x1xf32>, vector<20x1xf32> -> vector<20x1xf32>
    %get3A_127 = arith.constant 0 : index
    %get3A_128 = arith.constant 0 : index
    %get3A_129 = vector.load %arg15[%get3A_127, %get3A_128] : memref<1x1xf32, #tpu.memory_space<vmem>>, vector<1x1xf32>
    %add3A_130 = vector.broadcast %get3A_129 : vector<1x1xf32> to vector<20x1xf32>
    %add3A_131 = arith.addf %dot_general3A_126, %add3A_130 : vector<20x1xf32>
    %logistic3A = arith.negf %add3A_131 : vector<20x1xf32>
    %logistic3A_132 = math.exp %logistic3A : vector<20x1xf32>
    %logistic3A_133 = arith.constant 1.000000e+00 : f32
    %logistic3A_134 = vector.broadcast %logistic3A_133 : f32 to vector<20x1xf32>
    %logistic3A_135 = arith.addf %logistic3A_134, %logistic3A_132 : vector<20x1xf32>
    %logistic3A_136 = arith.divf %logistic3A_134, %logistic3A_135 : vector<20x1xf32>
    %swap3A = arith.constant 0 : index
    %swap3A_137 = arith.constant 0 : index
    %swap3A_138 = vector.load %arg19[%swap3A, %swap3A_137] : memref<20x1xf32, #tpu.memory_space<vmem>>, vector<20x1xf32>
    tpu.vector_store %arg19[%swap3A, %swap3A_137], %logistic3A_136 {strides = array<i32>} : memref<20x1xf32, #tpu.memory_space<vmem>>, vector<20x1xf32>,
    return
  }
}

</mosaic_0001>

<sc_bundles>
// kernel: kernel.12.cloned.1.call-start
scs
__scs_entry_jumppad:
0x0: {  	(pc) =	sbr.rel $0x88, $3  }
0x1: {  	(tag) =	ssettag $0x0;
	lr =	simm.s32 $0x1  }
0x2: {  	[smem:$0x3F81] =	sst lr;
	_ =	strace $0xD0000000  }
0x3: {  	_ = 	snop  }
0x4: {  	_ = 	snop  }
0x5: {  	_ = 	snop  }
0x6: {  	_ = 	snop  }
0x7: {  	_ = 	snop  }
__scs_overlays_trampoline_lowered:
0x8: {  	[smem:$0x3F90] =	sst s0  }
0x9: {  	[smem:$0x3F91] =	sst s1  }
0xa: {  	[smem:$0x3F92] =	sst s2  }
0xb: {  	[smem:$0x3F93] =	sst s3  }
0xc: {  	[smem:$0x3F94] =	sst s4  }
0xd: {  	[smem:$0x3F95] =	sst s5  }
0xe: {  	[smem:$0x3F96] =	sst s6  }
0xf: {  	[smem:$0x3F97] =	sst s7  }
0x10: {  	[smem:$0x3F98] =	sst s8  }
0x11: {  	[smem:$0x3F99] =	sst s9;
	s0 =	simm.s32 @!p0 $0x0  }
0x12: {  	s1 =	sld [smem:$0x3F7F];
	s0 =	simm.s32 @p0 $0x1  }
0x13: {  	[smem:$0x3F9A] =	sst s0;
	s0 =	simm.s32 @!p1 $0x0  }
0x14: {  	s2 =	sld [smem:$0x3F7E];
	s0 =	simm.s32 @p1 $0x1  }
0x15: {  	[smem:$0x3F9B] =	sst s0;
	s0 =	simm.s32 @!p2 $0x0  }
0x16: {  	s3 =	sld [smem:$0x3FDB];
	s0 =	simm.s32 @p2 $0x1  }
0x17: {  	s4 =	simm.s32 $0x1BF5;
	[smem:$0x3F9D] =	sst s0  }
0x18: {  	s0 =	sld [smem:$0x3F80];
	_ =	swait.ge [sflag:s4], $0x0  }
0x19: {  	s7 =	sld [smem:$0x3F81]  }
0x1a: {  	s8 =	sadd.s32 $0xFFFFE003, lr  }
0x1b: {  	s9 =	sadd.s32 $0xFFFFFEF7, lr;
	s5 =	simm.s32 $0xFFFFFFFF;
	p2 =	slt.u32 s8, $0xFFFFF086  }
0x1c: {  	p1 =	slt.u32 s9, $0xF7A;
	s5 =	simm.s32 @!p2 $0x0  }
0x1d: {  	s5 =	simm.s32 @p1 $0x1;
	p0 =	seq.s32 s7, s2  }
0x1e: {  	s7 =	smul.u32 @!p0 $0xF7A, s2;
	p2 =	seq.s32 @!p0 s5, $0x0  }
0x1f: {  	s9 =	smul.u32 $0xF7A, s1;
	s8 =	simm.s32 @!p0 $0x1BF5;
	p2 =	por !p2, p0  }
0x20: {  	[sflag:s8] =	ssyncset.s32 @!p0 $0xFFFFF086;
	s6 =	sadd.s32 @!p0 s3, s7;
	s7 =	simm.s32 @!p0 $0x108  }
0x21: {  	s3 =	sadd.s32 s3, s9;
	s6 =	sadd.s32 @!p0 $0x88, s6;
	s7 =	simm.s32 @p2 $0x1082  }
0x22: {  	[simem:s7], [sflag:s8] =	dma.local @!p0 [hbm:s6], $0xF7A  }
0x23: {  	s9 =	sor.u32 $0xD0000000, s2;
	s6 =	simm.s32 $0x108;
	_ =	swait.ge @!p0 [sflag:s8], $0x0  }
0x24: {  	s3 =	sadd.s32 $0x88, s3;
	s6 =	simm.s32 @!p1 $0x1082;
	[sflag:s4] =	ssyncset.s32 $0xFFFFF086  }
0x25: {  	[simem:s6], [sflag:s4] =	dma.local [hbm:s3], $0xF7A  }
0x26: {  	[smem:$0x3F81] =	sst s1;
	(tag) =	ssettag s2;
	_ =	strace s9  }
0x27: {  	s1 =	sld [smem:$0x3F91]  }
0x28: {  	s2 =	sld [smem:$0x3F92]  }
0x29: {  	s4 =	sld [smem:$0x3F94]  }
0x2a: {  	p0 =	seq.s32 s5, $0x0;
	s5 =	sld [smem:$0x3F95]  }
0x2b: {  	s6 =	sld [smem:$0x3F96]  }
0x2c: {  	s7 =	sld [smem:$0x3F97]  }
0x2d: {  	s3 =	simm.s32 $0x108;
	s8 =	sld [smem:$0x3F98]  }
0x2e: {  	s3 =	simm.s32 @!p0 $0x1082;
	s9 =	sld [smem:$0x3F99]  }
0x2f: {  	lr =	sadd.s32 s0, s3;
	s0 =	sld [smem:$0x3F90]  }
0x30: {  	s3 =	sld [smem:$0x3F93]  }
0x31: {  	[smem:$0x3F9C] =	sst s10  }
0x32: {  	s10 =	sld [smem:$0x3F9A];
	_ =	sdelay $0x3  }
0x33: {  	p0 =	seq.s32 s10, $0x1;
	s10 =	sld [smem:$0x3F9C];
	_ =	sdelay $0x3  }
0x34: {  	[smem:$0x3F9C] =	sst s10  }
0x35: {  	s10 =	sld [smem:$0x3F9B];
	_ =	sdelay $0x3  }
0x36: {  	p1 =	seq.s32 s10, $0x1;
	s10 =	sld [smem:$0x3F9C];
	_ =	sdelay $0x3  }
0x37: {  	[smem:$0x3F9C] =	sst s10  }
0x38: {  	s10 =	sld [smem:$0x3F9D]  }
0x39: {  	_ = 	snop;
	(pc) =	sbr.ind lr, $3  }
0x3a: {  	_ = 	snop  }
0x3b: {  	_ = 	snop  }
0x3c: {  	p2 =	seq.s32 s10, $0x1;
	s10 =	sld [smem:$0x3F9C]  }
0x3d: {  	_ =	shalt  }
0x3e: {  	_ =	shalt  }
0x3f: {  	_ =	shalt  }
0x40: {  	_ =	shalt  }
0x41: {  	_ =	shalt  }
0x42: {  	_ =	shalt  }
0x43: {  	_ =	shalt  }
0x44: {  	_ =	shalt  }
0x45: {  	_ =	shalt  }
0x46: {  	_ =	shalt  }
0x47: {  	_ =	shalt  }
0x48: {  	_ =	shalt  }
0x49: {  	_ =	shalt  }
0x4a: {  	_ =	shalt  }
0x4b: {  	_ =	shalt  }
0x4c: {  	_ =	shalt  }
0x4d: {  	_ =	shalt  }
0x4e: {  	_ =	shalt  }
0x4f: {  	_ =	shalt  }
0x50: {  	_ =	shalt  }
0x51: {  	_ =	shalt  }
0x52: {  	_ =	shalt  }
0x53: {  	_ =	shalt  }
0x54: {  	_ =	shalt  }
0x55: {  	_ =	shalt  }
0x56: {  	_ =	shalt  }
0x57: {  	_ =	shalt  }
0x58: {  	_ =	shalt  }
0x59: {  	_ =	shalt  }
0x5a: {  	_ =	shalt  }
0x5b: {  	_ =	shalt  }
0x5c: {  	_ =	shalt  }
0x5d: {  	_ =	shalt  }
0x5e: {  	_ =	shalt  }
0x5f: {  	_ =	shalt  }
0x60: {  	_ =	shalt  }
0x61: {  	_ =	shalt  }
0x62: {  	_ =	shalt  }
0x63: {  	_ =	shalt  }
0x64: {  	_ =	shalt  }
0x65: {  	_ =	shalt  }
0x66: {  	_ =	shalt  }
0x67: {  	_ =	shalt  }
0x68: {  	_ =	shalt  }
0x69: {  	_ =	shalt  }
0x6a: {  	_ =	shalt  }
0x6b: {  	_ =	shalt  }
0x6c: {  	_ =	shalt  }
0x6d: {  	_ =	shalt  }
0x6e: {  	_ =	shalt  }
0x6f: {  	_ =	shalt  }
0x70: {  	_ =	shalt  }
0x71: {  	_ =	shalt  }
0x72: {  	_ =	shalt  }
0x73: {  	_ =	shalt  }
0x74: {  	_ =	shalt  }
0x75: {  	_ =	shalt  }
0x76: {  	_ =	shalt  }
0x77: {  	_ =	shalt  }
0x78: {  	_ =	shalt  }
0x79: {  	_ =	shalt  }
0x7a: {  	_ =	shalt  }
0x7b: {  	_ =	shalt  }
0x7c: {  	_ =	shalt  }
0x7d: {  	_ =	shalt  }
0x7e: {  	_ =	shalt  }
0x7f: {  	_ =	shalt  }
0x80: {  	_ =	shalt  }
0x81: {  	_ =	shalt  }
0x82: {  	_ =	shalt  }
0x83: {  	_ =	shalt  }
0x84: {  	_ =	shalt  }
0x85: {  	_ =	shalt  }
0x86: {  	_ =	shalt  }
0x87: {  	_ =	shalt  }
.Lfunc_end0:
.L_simem_size_0:
called_computation.1_lowered:
.L_overlay_start_0:
0x88: {  	s2 =	sld [smem:$0x3FD9]  }
0x89: {  	s3 =	sld [smem:$0x3FFE];
	_ =	sdelay $0x1  }
0x8a: {  	s1 =	srdreg.scid  }
0x8b: {  	s0 =	sand.u32 $0x1, s1  }
0x8c: {  	s16 =	sshll.u32 s0, $0xA;
	s2 =	sadd.s32 s3, s2  }
0x8d: {  	s2 =	sadd.s32 s2, s16  }
0x8e: {  	[smem:$0x3FA8] =	sst s2  }
0x8f: {  	_ = 	snop  }
0x90: {  	(tm) =	ssettm $0x1  }
0x91: {  	s17 =	sld [smem:$0x3FFB];
	_ =	sdelay $0x3  }
0x92: {  	_ =	strace s17  }
0x93: {  	s2 =	sld [smem:$0x3FFC];
	_ =	sdelay $0x3  }
0x94: {  	_ =	strace s2  }
0x95: {  	s2 =	sld [smem:$0x3FFD];
	_ =	sdelay $0x3  }
0x96: {  	_ =	strace s2  }
0x97: {  	_ =	strace $0x8FFFFFFF  }
0x98: {  	s18 =	sld [smem:$0x3FDB];
	_ =	sdelay $0x1  }
0x99: {  	s19 =	simm.s32 $_scs_section_size  }
0x9a: {  	s4 =	simm.s32 $_size__tile_overlayer_lowered;
	s5 =	simm.s32 $_tile_overlayer_lowered  }
0x9b: {  	s22 =	simm.s32 $0x1BFF;
	s21 =	sshll.u32 s5, $0x1;
	s2 =	sadd.s32 s19, s18  }
0x9c: {  	s6 =	simm.s32 $0x0;
	s20 =	sshll.u32 s4, $0x1;
	s4 =	sadd.s32 s21, s2  }
0x9d: {  	[timem:s6], [sflag:s22] =	dma.local [hbm:s4], s20  }
0x9e: {  	_ =	swait.ge [sflag:s22], s20  }
0x9f: {  	s3 =	ssub.s32 $0x0, s20;
	[sflag:s22] =	ssyncset.done $0x0  }
0xa0: {  	[sflag:s22] =	ssyncadd.s32 s3;
	_ =	sdelay $0x1  }
0xa1: {  	s23 =	simm.s32 $0x1B8B  }
0xa2: {  	_ =	swait.ge [sflag:s23], $0x1  }
0xa3: {  	[sflag:s23] =	ssyncset.done $0x0  }
0xa4: {  	s25 =	simm.s32 $0x1B8E;
	s24 =	sld [smem:$0x3FFE];
	[sflag:s23] =	ssyncadd.s32 $0xFFFFFFFF  }
0xa5: {  	s26 =	simm.s32 $execute0_lowered;
	[smem:$0x3FD2] =	sst s25  }
0xa6: {  	s4 =	sshll.u32 s26, $0x1;
	_ =	strace $0x80000049;
	[dreg:$0x1] =	wrdreg $0xFFFFFFFF  }
0xa7: {  	s28 =	simm.s32 $_size_execute0_lowered;
	s2 =	sadd.s32 s2, s4;
	[dreg:$0x0] =	wrdreg $0x0  }
0xa8: {  	s4 =	sshll.u32 s28, $0x1;
	[dreg:$0x2] =	wrdreg s2  }
0xa9: {  	[dreg:$0x3] =	wrdreg s4  }
0xaa: {  	[dreg:$0x4] =	wrdreg $0xC0  }
0xab: {  	_ =	task [dreg:s6], $0x5FFFF  }
0xac: {  	[dreg:$0x1] =	wrdreg $0xFFFFFFFF  }
0xad: {  	[dreg:$0x0] =	wrdreg $0x60  }
0xae: {  	[dreg:$0x2] =	wrdreg s24  }
0xaf: {  	[dreg:$0x3] =	wrdreg $0x90000  }
0xb0: {  	[dreg:$0x4] =	wrdreg $0x9  }
0xb1: {  	_ =	task.clear_ibuf [dreg:s6], $0x5FFFF;
	_ =	strace $0x90000049  }
0xb2: {  	s29 =	simm.s32 $0x9;
	_ =	strace $0x8000004B  }
0xb3: {  	_ =	swait.ge [sflag:s29], $0x1  }
0xb4: {  	[sflag:s29] =	ssyncadd.s32 $0xFFFFFFFF  }
0xb5: {  	_ =	strace $0x9000004B  }
0xb6: {  	_ =	sfence  }
0xb7: {  	s30 =	sld [smem:$0x0];
	_ =	sdelay $0x2  }
0xb8: {  	s31 =	sshll.u32 s1, $0xD;
	s1 =	sshrl.u32 s1, $0x2  }
0xb9: {  	s3 =	sand.u32 $0x4000, s31;
	s1 =	sadd.s32 s1, s30  }
0xba: {  	s0 =	sor.u32 s3, s0;
	s1 =	sshll.u32 s1, $0x11  }
0xbb: {  	s0 =	sor.u32 s1, s0  }
0xbc: {  	s0 =	sadd.s32 $0x8F2B, s0  }
0xbd: {  	[sflag:s0] =	ssyncadd.remote.s32 $0x1  }
0xbe: {  	_ =	sfence.sel $0xFFFF  }
0xbf: {  	[dreg:$0x0] =	wrdreg $0xFFFFFFFF;
	(pc) =	sbr.abs _section_cstart, $3  }
0xc0: {  	[dreg:$0x1] =	wrdreg $0xFFFFFFFF  }
0xc1: {  	_ =	task.clear_ibuf [dreg:s6], $0x2FFFF;
	_ =	strace $0x9FFFFFFF  }
0xc2: {  	(tm) =	ssettm $0x7FFFFFFF  }
0xc3: {  	_ =	shalt  }
tec
execute0_lowered:
.L_overlay_start_1:
0x0: {  	(tag) =	ssettag $0x1  }
0x1: {  	s1 =	srdreg.scid;
	s6 =	rddreg [dreg:$0x0]  }
0x2: {  	s0 =	stileid.u32;
	s2 =	rddreg [dreg:$0x1];
	s3 =	simm.s32 $0x0  }
0x3: {  	s13 =	simm.s32 $0x2800;
	s14 =	simm.s32 $0x80;
	s15 =	simm.s32 $0x5000  }
0x4: {  	s16 =	simm.s32 $0x1;
	s17 =	simm.s32 $0x0;
	s7 =	sand.u32 $0x1, s1  }
0x5: {  	s26 =	sshll.u32 s0, $0x1;
	s1 =	rddreg [dreg:$0x2];
	s8 =	smul.u32 $0x2780, s0  }
0x6: {  	[smem:$0x7FF] =	sst s3;
	s11 =	smul.u32 $0x4F000, s0;
	s31 =	sshll.u32 s0, $0x6  }
0x7: {  	s4 =	sor.u32 s7, s26;
	_ =	strace $0x8000004A;
	s9 =	smul.u32 $0x27800, s7  }
0x8: {  	s7 =	ssub.s32 $0x2, s7;
	s5 =	smul.u32 $0x500, s4;
	s4 =	sadd.s32 $0x90600, s6  }
0x9: {  	s28 =	sshrl.u32 s7, $0x1;
	s29 =	sshrl.u32 s11, $0x2;
	s8 =	sadd.s32 s8, s9  }
0xa: {  	s30 =	ssub.s32 s7, s28;
	s12 =	sadd.s32 s29, s2;
	s10 =	sadd.s32 s5, s6  }
0xb: {  	s5 =	sadd.s32 $0x8DE00, s6;
	s9 =	sadd.s32 s8, s6;
	s6 =	sor.u32 $0x1C02, s31  }
0xc: {  	s11 =	sshrl.u32 s12, $0x3;
	s12 =	simm.s32 $0x2;
	s7 =	sadd.s32 $0x4A00, s10  }
0xd: {  	s8 =	sadd.s32 $0xEA00, s10;
	s9 =	sadd.s32 $0x18A00, s9;
	s10 =	smax.u32 s30, $0x1  }
.LBB2_1:
0xe: {  	[spmem:s11], [sflag:s6] =	dma.local [hbm:s5], $0x2780  }
0xf: {  	_ =	swait.ge [sflag:s12], $0x2780  }
0x10: {  	[sflag:s12] =	ssyncset.done $0x0  }
0x11: {  	[sflag:s12] =	ssyncadd.s32 $0xFFFFD880  }
0x12: {  	[tilespmem:s3], [sflag:$0x2] =	stream.linear.gather [hbm4b:s7+s3], $0x2780, $0x38;
	[tilespmem:$0x1CC00] =	vst v63  }
0x13: {  	_ =	swait.ge [sflag:s12], $0x2780  }
0x14: {  	[sflag:s12] =	ssyncset.done $0x0  }
0x15: {  	[sflag:s12] =	ssyncadd.s32 $0xFFFFD880  }
0x16: {  	[tilespmem:s13], [sflag:$0x2] =	stream.linear.gather [hbm4b:s8+s3], $0x2780, $0x38;
	[tilespmem:$0x1CC00] =	vst v63  }
0x17: {  	_ =	swait.ge [sflag:s12], $0x2780  }
0x18: {  	[sflag:s12] =	ssyncset.done $0x0  }
0x19: {  	[sflag:s12] =	ssyncadd.s32 $0xFFFFD880  }
0x1a: {  	s18 =	simm.s32 $0x0;
	[bflag:$0x0] =	sbarrier.arrive $0xFFFF  }
0x1b: {  	[tilespmem:s15], [sflag:$0x1] =	stream.indirect.gather [hbm4b:s4+s14], $0x80, s18, s14, $0xb8;
	[tilespmem:$0x1CC00] =	vst v63  }
0x1c: {  	_ =	swait.ge [sflag:s16], $0x4000  }
0x1d: {  	[sflag:s16] =	ssyncset.done $0x0  }
0x1e: {  	s31 =	simm.s32 $0x2800;
	[sflag:s16] =	ssyncadd.s32 $0xFFFFC000  }
0x1f: {  	[spmem:s2] =	stream.indirect.scatter.add.f32 [tilespmem:s15], [sflag:$0x2], $0x80, s31, s14, $0xb8;
	[tilespmem:$0x1CC00] =	vst v63  }
0x20: {  	_ =	swait.ge [sflag:s12], $0x4000  }
0x21: {  	s19 =	simm.s32 $0x400;
	s18 =	simm.s32 $0x200;
	[sflag:s12] =	ssyncset.done $0x0  }
.LBB2_2:
0x22: {  	s20 =	sshra.s32 s18, $0x2  }
0x23: {  	[sflag:s12] =	ssyncadd.s32 $0xFFFFC000;
	s18 =	smov.u32 s19;
	s21 =	sadd.s32 $0x200, s19  }
0x24: {  	[tilespmem:s15], [sflag:$0x1] =	stream.indirect.gather [hbm4b:s4+s14], $0x80, s20, s14, $0xb8;
	[tilespmem:$0x1CC00] =	vst v63  }
0x25: {  	p0 =	sne.s32 s19, $0x9C00;
	_ =	swait.ge [sflag:s16], $0x4000  }
.Ltmp0:
0x26: {  	[sflag:s16] =	ssyncset.done $0x0;
	(pc) =	sbr.rel @p0 .LBB2_2-.Ltmp0, $4  }
0x27: {  	s19 =	sadd.s32 $0x2800, s20;
	[sflag:s16] =	ssyncadd.s32 $0xFFFFC000  }
0x28: {  	[spmem:s2] =	stream.indirect.scatter.add.f32 [tilespmem:s15], [sflag:$0x2], $0x80, s19, s14, $0xb8;
	[tilespmem:$0x1CC00] =	vst v63  }
0x29: {  	_ =	swait.ge [sflag:s12], $0x4000  }
0x2a: {  	s19 =	smov.u32 s21;
	[sflag:s12] =	ssyncset.done $0x0  }
0x2b: {  	s18 =	sshra.s32 s18, $0x2;
	[sflag:s12] =	ssyncadd.s32 $0xFFFFC000  }
0x2c: {  	[tilespmem:s15], [sflag:$0x1] =	stream.indirect.gather [hbm4b:s4+s14], $0x80, s18, s14, $0xb8;
	[tilespmem:$0x1CC00] =	vst v63  }
0x2d: {  	_ =	swait.ge [sflag:s16], $0x4000  }
0x2e: {  	[sflag:s16] =	ssyncset.done $0x0  }
0x2f: {  	s18 =	sadd.s32 $0x2800, s18;
	[sflag:s16] =	ssyncadd.s32 $0xFFFFC000  }
0x30: {  	[spmem:s2] =	stream.indirect.scatter.add.f32 [tilespmem:s15], [sflag:$0x2], $0x80, s18, s14, $0xb8;
	[tilespmem:$0x1CC00] =	vst v63  }
0x31: {  	_ =	swait.ge [sflag:s12], $0x4000  }
0x32: {  	s17 =	sadd.s32 $0x1, s17;
	[sflag:s12] =	ssyncset.done $0x0  }
0x33: {  	p0 =	sne.s32 s17, s10;
	[sflag:s12] =	ssyncadd.s32 $0xFFFFC000  }
.Ltmp1:
0x34: {  	[bflag:$0x0] =	sbarrier.arrive $0xFFFF;
	(pc) =	sbr.rel @p0 .LBB2_1-.Ltmp1, $4  }
0x35: {  	[hbm:s9], [sflag:s6] =	dma.local [spmem:s11], $0x2780  }
0x36: {  	_ =	swait.ge [sflag:s12], $0x2780  }
0x37: {  	[sflag:s12] =	ssyncset.done $0x0  }
0x38: {  	[sflag:s12] =	ssyncadd.s32 $0xFFFFD880  }
0x39: {  	_ =	sfence.sel $0x180000  }
0x3a: {  	[bflag:$0x0] =	sbarrier.arrive $0xFFFF  }
0x3b: {  	p0 =	sne.s32 s0, $0x0;
	_ =	strace $0x9000004A  }
0x3c: {  	s0 =	sadd.s32 @!p0 $0x100000, s1;
	[bflag:$0x2] =	sbarrier.arrive $0xFFFF  }
0x3d: {  	[sflag:s0] =	ssyncadd.tile.s32 @!p0 $0x1;
	_ =	shalt  }
.Lfunc_end2:
_tile_overlayer_lowered:
.L_overlay_start_2:
0x3e: {  	(tag) =	ssettag $0x2  }
0x3f: {  	s0 =	rddreg [dreg:$0x0];
	s2 =	stileid.u32  }
0x40: {  	s1 =	rddreg [dreg:$0x1];
	p0 =	sne.s32 s2, $0x0  }
0x41: {  	s3 =	rddreg [dreg:$0x2];
	[bflag:$0x3] =	sbarrier.arrive $0xFFFF;
	s2 =	simm.s32 @!p0 $0x1C02  }
0x42: {  	[timem:s3], [sflag:s2] =	dma.local @!p0 [hbm:s0], s1  }
0x43: {  	s0 =	simm.s32 @!p0 $0x2  }
0x44: {  	_ =	swait.ge @!p0 [sflag:s0], s1  }
0x45: {  	s1 =	ssub.s32 @!p0 $0x0, s1;
	[sflag:s0] =	ssyncset.done @!p0 $0x0  }
0x46: {  	[sflag:s0] =	ssyncadd.s32 @!p0 s1  }
0x47: {  	[bflag:$0x3] =	sbarrier.arrive $0xFFFF  }
0x48: {  	_ =	shalt  }

// kernel: kernel.15.cloned.1.call-start
scs
__scs_entry_jumppad:
0x0: {  	(pc) =	sbr.rel $0x88, $3  }
0x1: {  	(tag) =	ssettag $0x0;
	lr =	simm.s32 $0x1  }
0x2: {  	[smem:$0x3F81] =	sst lr;
	_ =	strace $0xD0000000  }
0x3: {  	_ = 	snop  }
0x4: {  	_ = 	snop  }
0x5: {  	_ = 	snop  }
0x6: {  	_ = 	snop  }
0x7: {  	_ = 	snop  }
__scs_overlays_trampoline_lowered:
0x8: {  	[smem:$0x3F90] =	sst s0  }
0x9: {  	[smem:$0x3F91] =	sst s1  }
0xa: {  	[smem:$0x3F92] =	sst s2  }
0xb: {  	[smem:$0x3F93] =	sst s3  }
0xc: {  	[smem:$0x3F94] =	sst s4  }
0xd: {  	[smem:$0x3F95] =	sst s5  }
0xe: {  	[smem:$0x3F96] =	sst s6  }
0xf: {  	[smem:$0x3F97] =	sst s7  }
0x10: {  	[smem:$0x3F98] =	sst s8  }
0x11: {  	[smem:$0x3F99] =	sst s9;
	s0 =	simm.s32 @!p0 $0x0  }
0x12: {  	s1 =	sld [smem:$0x3F7F];
	s0 =	simm.s32 @p0 $0x1  }
0x13: {  	[smem:$0x3F9A] =	sst s0;
	s0 =	simm.s32 @!p1 $0x0  }
0x14: {  	s2 =	sld [smem:$0x3F7E];
	s0 =	simm.s32 @p1 $0x1  }
0x15: {  	[smem:$0x3F9B] =	sst s0;
	s0 =	simm.s32 @!p2 $0x0  }
0x16: {  	s3 =	sld [smem:$0x3FDB];
	s0 =	simm.s32 @p2 $0x1  }
0x17: {  	s4 =	simm.s32 $0x1BF5;
	[smem:$0x3F9D] =	sst s0  }
0x18: {  	s0 =	sld [smem:$0x3F80];
	_ =	swait.ge [sflag:s4], $0x0  }
0x19: {  	s7 =	sld [smem:$0x3F81]  }
0x1a: {  	s8 =	sadd.s32 $0xFFFFE003, lr  }
0x1b: {  	s9 =	sadd.s32 $0xFFFFFEF7, lr;
	s5 =	simm.s32 $0xFFFFFFFF;
	p2 =	slt.u32 s8, $0xFFFFF086  }
0x1c: {  	p1 =	slt.u32 s9, $0xF7A;
	s5 =	simm.s32 @!p2 $0x0  }
0x1d: {  	s5 =	simm.s32 @p1 $0x1;
	p0 =	seq.s32 s7, s2  }
0x1e: {  	s7 =	smul.u32 @!p0 $0xF7A, s2;
	p2 =	seq.s32 @!p0 s5, $0x0  }
0x1f: {  	s9 =	smul.u32 $0xF7A, s1;
	s8 =	simm.s32 @!p0 $0x1BF5;
	p2 =	por !p2, p0  }
0x20: {  	[sflag:s8] =	ssyncset.s32 @!p0 $0xFFFFF086;
	s6 =	sadd.s32 @!p0 s3, s7;
	s7 =	simm.s32 @!p0 $0x108  }
0x21: {  	s3 =	sadd.s32 s3, s9;
	s6 =	sadd.s32 @!p0 $0x88, s6;
	s7 =	simm.s32 @p2 $0x1082  }
0x22: {  	[simem:s7], [sflag:s8] =	dma.local @!p0 [hbm:s6], $0xF7A  }
0x23: {  	s9 =	sor.u32 $0xD0000000, s2;
	s6 =	simm.s32 $0x108;
	_ =	swait.ge @!p0 [sflag:s8], $0x0  }
0x24: {  	s3 =	sadd.s32 $0x88, s3;
	s6 =	simm.s32 @!p1 $0x1082;
	[sflag:s4] =	ssyncset.s32 $0xFFFFF086  }
0x25: {  	[simem:s6], [sflag:s4] =	dma.local [hbm:s3], $0xF7A  }
0x26: {  	[smem:$0x3F81] =	sst s1;
	(tag) =	ssettag s2;
	_ =	strace s9  }
0x27: {  	s1 =	sld [smem:$0x3F91]  }
0x28: {  	s2 =	sld [smem:$0x3F92]  }
0x29: {  	s4 =	sld [smem:$0x3F94]  }
0x2a: {  	p0 =	seq.s32 s5, $0x0;
	s5 =	sld [smem:$0x3F95]  }
0x2b: {  	s6 =	sld [smem:$0x3F96]  }
0x2c: {  	s7 =	sld [smem:$0x3F97]  }
0x2d: {  	s3 =	simm.s32 $0x108;
	s8 =	sld [smem:$0x3F98]  }
0x2e: {  	s3 =	simm.s32 @!p0 $0x1082;
	s9 =	sld [smem:$0x3F99]  }
0x2f: {  	lr =	sadd.s32 s0, s3;
	s0 =	sld [smem:$0x3F90]  }
0x30: {  	s3 =	sld [smem:$0x3F93]  }
0x31: {  	[smem:$0x3F9C] =	sst s10  }
0x32: {  	s10 =	sld [smem:$0x3F9A];
	_ =	sdelay $0x3  }
0x33: {  	p0 =	seq.s32 s10, $0x1;
	s10 =	sld [smem:$0x3F9C];
	_ =	sdelay $0x3  }
0x34: {  	[smem:$0x3F9C] =	sst s10  }
0x35: {  	s10 =	sld [smem:$0x3F9B];
	_ =	sdelay $0x3  }
0x36: {  	p1 =	seq.s32 s10, $0x1;
	s10 =	sld [smem:$0x3F9C];
	_ =	sdelay $0x3  }
0x37: {  	[smem:$0x3F9C] =	sst s10  }
0x38: {  	s10 =	sld [smem:$0x3F9D]  }
0x39: {  	_ = 	snop;
	(pc) =	sbr.ind lr, $3  }
0x3a: {  	_ = 	snop  }
0x3b: {  	_ = 	snop  }
0x3c: {  	p2 =	seq.s32 s10, $0x1;
	s10 =	sld [smem:$0x3F9C]  }
0x3d: {  	_ =	shalt  }
0x3e: {  	_ =	shalt  }
0x3f: {  	_ =	shalt  }
0x40: {  	_ =	shalt  }
0x41: {  	_ =	shalt  }
0x42: {  	_ =	shalt  }
0x43: {  	_ =	shalt  }
0x44: {  	_ =	shalt  }
0x45: {  	_ =	shalt  }
0x46: {  	_ =	shalt  }
0x47: {  	_ =	shalt  }
0x48: {  	_ =	shalt  }
0x49: {  	_ =	shalt  }
0x4a: {  	_ =	shalt  }
0x4b: {  	_ =	shalt  }
0x4c: {  	_ =	shalt  }
0x4d: {  	_ =	shalt  }
0x4e: {  	_ =	shalt  }
0x4f: {  	_ =	shalt  }
0x50: {  	_ =	shalt  }
0x51: {  	_ =	shalt  }
0x52: {  	_ =	shalt  }
0x53: {  	_ =	shalt  }
0x54: {  	_ =	shalt  }
0x55: {  	_ =	shalt  }
0x56: {  	_ =	shalt  }
0x57: {  	_ =	shalt  }
0x58: {  	_ =	shalt  }
0x59: {  	_ =	shalt  }
0x5a: {  	_ =	shalt  }
0x5b: {  	_ =	shalt  }
0x5c: {  	_ =	shalt  }
0x5d: {  	_ =	shalt  }
0x5e: {  	_ =	shalt  }
0x5f: {  	_ =	shalt  }
0x60: {  	_ =	shalt  }
0x61: {  	_ =	shalt  }
0x62: {  	_ =	shalt  }
0x63: {  	_ =	shalt  }
0x64: {  	_ =	shalt  }
0x65: {  	_ =	shalt  }
0x66: {  	_ =	shalt  }
0x67: {  	_ =	shalt  }
0x68: {  	_ =	shalt  }
0x69: {  	_ =	shalt  }
0x6a: {  	_ =	shalt  }
0x6b: {  	_ =	shalt  }
0x6c: {  	_ =	shalt  }
0x6d: {  	_ =	shalt  }
0x6e: {  	_ =	shalt  }
0x6f: {  	_ =	shalt  }
0x70: {  	_ =	shalt  }
0x71: {  	_ =	shalt  }
0x72: {  	_ =	shalt  }
0x73: {  	_ =	shalt  }
0x74: {  	_ =	shalt  }
0x75: {  	_ =	shalt  }
0x76: {  	_ =	shalt  }
0x77: {  	_ =	shalt  }
0x78: {  	_ =	shalt  }
0x79: {  	_ =	shalt  }
0x7a: {  	_ =	shalt  }
0x7b: {  	_ =	shalt  }
0x7c: {  	_ =	shalt  }
0x7d: {  	_ =	shalt  }
0x7e: {  	_ =	shalt  }
0x7f: {  	_ =	shalt  }
0x80: {  	_ =	shalt  }
0x81: {  	_ =	shalt  }
0x82: {  	_ =	shalt  }
0x83: {  	_ =	shalt  }
0x84: {  	_ =	shalt  }
0x85: {  	_ =	shalt  }
0x86: {  	_ =	shalt  }
0x87: {  	_ =	shalt  }
.Lfunc_end0:
.L_simem_size_0:
called_computation.2_lowered:
.L_overlay_start_0:
0x88: {  	s2 =	sld [smem:$0x3FD9]  }
0x89: {  	s3 =	sld [smem:$0x3FFE];
	_ =	sdelay $0x1  }
0x8a: {  	s1 =	srdreg.scid  }
0x8b: {  	s0 =	sand.u32 $0x1, s1  }
0x8c: {  	s16 =	sshll.u32 s0, $0xA;
	s2 =	sadd.s32 s3, s2  }
0x8d: {  	s2 =	sadd.s32 s2, s16  }
0x8e: {  	[smem:$0x3FA8] =	sst s2  }
0x8f: {  	_ = 	snop  }
0x90: {  	(tm) =	ssettm $0x1  }
0x91: {  	s17 =	sld [smem:$0x3FFB];
	_ =	sdelay $0x3  }
0x92: {  	_ =	strace s17  }
0x93: {  	s2 =	sld [smem:$0x3FFC];
	_ =	sdelay $0x3  }
0x94: {  	_ =	strace s2  }
0x95: {  	s2 =	sld [smem:$0x3FFD];
	_ =	sdelay $0x3  }
0x96: {  	_ =	strace s2  }
0x97: {  	_ =	strace $0x8FFFFFFF  }
0x98: {  	s18 =	sld [smem:$0x3FDB];
	_ =	sdelay $0x1  }
0x99: {  	s19 =	simm.s32 $_scs_section_size  }
0x9a: {  	s4 =	simm.s32 $_size__tile_overlayer_lowered;
	s5 =	simm.s32 $_tile_overlayer_lowered  }
0x9b: {  	s22 =	simm.s32 $0x1BFF;
	s21 =	sshll.u32 s5, $0x1;
	s2 =	sadd.s32 s19, s18  }
0x9c: {  	s6 =	simm.s32 $0x0;
	s20 =	sshll.u32 s4, $0x1;
	s4 =	sadd.s32 s21, s2  }
0x9d: {  	[timem:s6], [sflag:s22] =	dma.local [hbm:s4], s20  }
0x9e: {  	_ =	swait.ge [sflag:s22], s20  }
0x9f: {  	s3 =	ssub.s32 $0x0, s20;
	[sflag:s22] =	ssyncset.done $0x0  }
0xa0: {  	[sflag:s22] =	ssyncadd.s32 s3;
	_ =	sdelay $0x1  }
0xa1: {  	s23 =	simm.s32 $0x1B8B  }
0xa2: {  	_ =	swait.ge [sflag:s23], $0x1  }
0xa3: {  	[sflag:s23] =	ssyncset.done $0x0  }
0xa4: {  	s25 =	simm.s32 $0x1B8E;
	s24 =	sld [smem:$0x3FFE];
	[sflag:s23] =	ssyncadd.s32 $0xFFFFFFFF  }
0xa5: {  	s26 =	simm.s32 $execute0_lowered;
	[smem:$0x3FD2] =	sst s25  }
0xa6: {  	s4 =	sshll.u32 s26, $0x1;
	_ =	strace $0x8000004C;
	[dreg:$0x1] =	wrdreg $0xFFFFFFFF  }
0xa7: {  	s28 =	simm.s32 $_size_execute0_lowered;
	s2 =	sadd.s32 s2, s4;
	[dreg:$0x0] =	wrdreg $0x0  }
0xa8: {  	s4 =	sshll.u32 s28, $0x1;
	[dreg:$0x2] =	wrdreg s2  }
0xa9: {  	[dreg:$0x3] =	wrdreg s4  }
0xaa: {  	[dreg:$0x4] =	wrdreg $0xC0  }
0xab: {  	_ =	task [dreg:s6], $0x5FFFF  }
0xac: {  	[dreg:$0x1] =	wrdreg $0xFFFFFFFF  }
0xad: {  	[dreg:$0x0] =	wrdreg $0x60  }
0xae: {  	[dreg:$0x2] =	wrdreg s24  }
0xaf: {  	[dreg:$0x3] =	wrdreg $0x90000  }
0xb0: {  	[dreg:$0x4] =	wrdreg $0x9  }
0xb1: {  	_ =	task.clear_ibuf [dreg:s6], $0x5FFFF;
	_ =	strace $0x9000004C  }
0xb2: {  	s29 =	simm.s32 $0x9;
	_ =	strace $0x8000004E  }
0xb3: {  	_ =	swait.ge [sflag:s29], $0x1  }
0xb4: {  	[sflag:s29] =	ssyncadd.s32 $0xFFFFFFFF  }
0xb5: {  	_ =	strace $0x9000004E  }
0xb6: {  	_ =	sfence  }
0xb7: {  	s30 =	sld [smem:$0x0];
	_ =	sdelay $0x2  }
0xb8: {  	s31 =	sshll.u32 s1, $0xD;
	s1 =	sshrl.u32 s1, $0x2  }
0xb9: {  	s3 =	sand.u32 $0x4000, s31;
	s1 =	sadd.s32 s1, s30  }
0xba: {  	s0 =	sor.u32 s3, s0;
	s1 =	sshll.u32 s1, $0x11  }
0xbb: {  	s0 =	sor.u32 s1, s0  }
0xbc: {  	s0 =	sadd.s32 $0x8F2B, s0  }
0xbd: {  	[sflag:s0] =	ssyncadd.remote.s32 $0x1  }
0xbe: {  	_ =	sfence.sel $0xFFFF  }
0xbf: {  	[dreg:$0x0] =	wrdreg $0xFFFFFFFF;
	(pc) =	sbr.abs _section_cstart, $3  }
0xc0: {  	[dreg:$0x1] =	wrdreg $0xFFFFFFFF  }
0xc1: {  	_ =	task.clear_ibuf [dreg:s6], $0x2FFFF;
	_ =	strace $0x9FFFFFFF  }
0xc2: {  	(tm) =	ssettm $0x7FFFFFFF  }
0xc3: {  	_ =	shalt  }
tec
execute0_lowered:
.L_overlay_start_1:
0x0: {  	(tag) =	ssettag $0x1  }
0x1: {  	s1 =	srdreg.scid;
	s6 =	rddreg [dreg:$0x0]  }
0x2: {  	s0 =	stileid.u32;
	s2 =	rddreg [dreg:$0x1];
	s3 =	simm.s32 $0x0  }
0x3: {  	s13 =	simm.s32 $0x2800;
	s14 =	simm.s32 $0x80;
	s15 =	simm.s32 $0x5000  }
0x4: {  	s16 =	simm.s32 $0x1;
	s17 =	simm.s32 $0x0;
	s7 =	sand.u32 $0x1, s1  }
0x5: {  	s26 =	sshll.u32 s0, $0x1;
	s1 =	rddreg [dreg:$0x2];
	s8 =	smul.u32 $0x2780, s0  }
0x6: {  	[smem:$0x7FF] =	sst s3;
	s11 =	smul.u32 $0x4F000, s0;
	s31 =	sshll.u32 s0, $0x6  }
0x7: {  	s4 =	sor.u32 s7, s26;
	_ =	strace $0x8000004D;
	s9 =	smul.u32 $0x27800, s7  }
0x8: {  	s7 =	ssub.s32 $0x2, s7;
	s5 =	smul.u32 $0x500, s4;
	s4 =	sadd.s32 $0xDE800, s6  }
0x9: {  	s28 =	sshrl.u32 s7, $0x1;
	s29 =	sshrl.u32 s11, $0x2;
	s8 =	sadd.s32 s8, s9  }
0xa: {  	s30 =	ssub.s32 s7, s28;
	s12 =	sadd.s32 s29, s2;
	s10 =	sadd.s32 s5, s6  }
0xb: {  	s5 =	sadd.s32 $0x8DE00, s6;
	s9 =	sadd.s32 s8, s6;
	s6 =	sor.u32 $0x1C02, s31  }
0xc: {  	s11 =	sshrl.u32 s12, $0x3;
	s12 =	simm.s32 $0x2;
	s7 =	sadd.s32 $0x4A00, s10  }
0xd: {  	s8 =	sadd.s32 $0xEA00, s10;
	s9 =	sadd.s32 $0x18A00, s9;
	s10 =	smax.u32 s30, $0x1  }
.LBB2_1:
0xe: {  	[spmem:s11], [sflag:s6] =	dma.local [hbm:s5], $0x2780  }
0xf: {  	_ =	swait.ge [sflag:s12], $0x2780  }
0x10: {  	[sflag:s12] =	ssyncset.done $0x0  }
0x11: {  	[sflag:s12] =	ssyncadd.s32 $0xFFFFD880  }
0x12: {  	[tilespmem:s3], [sflag:$0x2] =	stream.linear.gather [hbm4b:s7+s3], $0x2780, $0x38;
	[tilespmem:$0x1CC00] =	vst v63  }
0x13: {  	_ =	swait.ge [sflag:s12], $0x2780  }
0x14: {  	[sflag:s12] =	ssyncset.done $0x0  }
0x15: {  	[sflag:s12] =	ssyncadd.s32 $0xFFFFD880  }
0x16: {  	[tilespmem:s13], [sflag:$0x2] =	stream.linear.gather [hbm4b:s8+s3], $0x2780, $0x38;
	[tilespmem:$0x1CC00] =	vst v63  }
0x17: {  	_ =	swait.ge [sflag:s12], $0x2780  }
0x18: {  	[sflag:s12] =	ssyncset.done $0x0  }
0x19: {  	[sflag:s12] =	ssyncadd.s32 $0xFFFFD880  }
0x1a: {  	s18 =	simm.s32 $0x0;
	[bflag:$0x0] =	sbarrier.arrive $0xFFFF  }
0x1b: {  	[tilespmem:s15], [sflag:$0x1] =	stream.indirect.gather [hbm4b:s4+s14], $0x80, s18, s14, $0xb8;
	[tilespmem:$0x1CC00] =	vst v63  }
0x1c: {  	_ =	swait.ge [sflag:s16], $0x4000  }
0x1d: {  	[sflag:s16] =	ssyncset.done $0x0  }
0x1e: {  	s31 =	simm.s32 $0x2800;
	[sflag:s16] =	ssyncadd.s32 $0xFFFFC000  }
0x1f: {  	[spmem:s2] =	stream.indirect.scatter.add.f32 [tilespmem:s15], [sflag:$0x2], $0x80, s31, s14, $0xb8;
	[tilespmem:$0x1CC00] =	vst v63  }
0x20: {  	_ =	swait.ge [sflag:s12], $0x4000  }
0x21: {  	s19 =	simm.s32 $0x400;
	s18 =	simm.s32 $0x200;
	[sflag:s12] =	ssyncset.done $0x0  }
.LBB2_2:
0x22: {  	s20 =	sshra.s32 s18, $0x2  }
0x23: {  	[sflag:s12] =	ssyncadd.s32 $0xFFFFC000;
	s18 =	smov.u32 s19;
	s21 =	sadd.s32 $0x200, s19  }
0x24: {  	[tilespmem:s15], [sflag:$0x1] =	stream.indirect.gather [hbm4b:s4+s14], $0x80, s20, s14, $0xb8;
	[tilespmem:$0x1CC00] =	vst v63  }
0x25: {  	p0 =	sne.s32 s19, $0x9C00;
	_ =	swait.ge [sflag:s16], $0x4000  }
.Ltmp0:
0x26: {  	[sflag:s16] =	ssyncset.done $0x0;
	(pc) =	sbr.rel @p0 .LBB2_2-.Ltmp0, $4  }
0x27: {  	s19 =	sadd.s32 $0x2800, s20;
	[sflag:s16] =	ssyncadd.s32 $0xFFFFC000  }
0x28: {  	[spmem:s2] =	stream.indirect.scatter.add.f32 [tilespmem:s15], [sflag:$0x2], $0x80, s19, s14, $0xb8;
	[tilespmem:$0x1CC00] =	vst v63  }
0x29: {  	_ =	swait.ge [sflag:s12], $0x4000  }
0x2a: {  	s19 =	smov.u32 s21;
	[sflag:s12] =	ssyncset.done $0x0  }
0x2b: {  	s18 =	sshra.s32 s18, $0x2;
	[sflag:s12] =	ssyncadd.s32 $0xFFFFC000  }
0x2c: {  	[tilespmem:s15], [sflag:$0x1] =	stream.indirect.gather [hbm4b:s4+s14], $0x80, s18, s14, $0xb8;
	[tilespmem:$0x1CC00] =	vst v63  }
0x2d: {  	_ =	swait.ge [sflag:s16], $0x4000  }
0x2e: {  	[sflag:s16] =	ssyncset.done $0x0  }
0x2f: {  	s18 =	sadd.s32 $0x2800, s18;
	[sflag:s16] =	ssyncadd.s32 $0xFFFFC000  }
0x30: {  	[spmem:s2] =	stream.indirect.scatter.add.f32 [tilespmem:s15], [sflag:$0x2], $0x80, s18, s14, $0xb8;
	[tilespmem:$0x1CC00] =	vst v63  }
0x31: {  	_ =	swait.ge [sflag:s12], $0x4000  }
0x32: {  	s17 =	sadd.s32 $0x1, s17;
	[sflag:s12] =	ssyncset.done $0x0  }
0x33: {  	p0 =	sne.s32 s17, s10;
	[sflag:s12] =	ssyncadd.s32 $0xFFFFC000  }
.Ltmp1:
0x34: {  	[bflag:$0x0] =	sbarrier.arrive $0xFFFF;
	(pc) =	sbr.rel @p0 .LBB2_1-.Ltmp1, $4  }
0x35: {  	[hbm:s9], [sflag:s6] =	dma.local [spmem:s11], $0x2780  }
0x36: {  	_ =	swait.ge [sflag:s12], $0x2780  }
0x37: {  	[sflag:s12] =	ssyncset.done $0x0  }
0x38: {  	[sflag:s12] =	ssyncadd.s32 $0xFFFFD880  }
0x39: {  	_ =	sfence.sel $0x180000  }
0x3a: {  	[bflag:$0x0] =	sbarrier.arrive $0xFFFF  }
0x3b: {  	p0 =	sne.s32 s0, $0x0;
	_ =	strace $0x9000004D  }
0x3c: {  	s0 =	sadd.s32 @!p0 $0x100000, s1;
	[bflag:$0x2] =	sbarrier.arrive $0xFFFF  }
0x3d: {  	[sflag:s0] =	ssyncadd.tile.s32 @!p0 $0x1;
	_ =	shalt  }
.Lfunc_end2:
_tile_overlayer_lowered:
.L_overlay_start_2:
0x3e: {  	(tag) =	ssettag $0x2  }
0x3f: {  	s0 =	rddreg [dreg:$0x0];
	s2 =	stileid.u32  }
0x40: {  	s1 =	rddreg [dreg:$0x1];
	p0 =	sne.s32 s2, $0x0  }
0x41: {  	s3 =	rddreg [dreg:$0x2];
	[bflag:$0x3] =	sbarrier.arrive $0xFFFF;
	s2 =	simm.s32 @!p0 $0x1C02  }
0x42: {  	[timem:s3], [sflag:s2] =	dma.local @!p0 [hbm:s0], s1  }
0x43: {  	s0 =	simm.s32 @!p0 $0x2  }
0x44: {  	_ =	swait.ge @!p0 [sflag:s0], s1  }
0x45: {  	s1 =	ssub.s32 @!p0 $0x0, s1;
	[sflag:s0] =	ssyncset.done @!p0 $0x0  }
0x46: {  	[sflag:s0] =	ssyncadd.s32 @!p0 s1  }
0x47: {  	[bflag:$0x3] =	sbarrier.arrive $0xFFFF  }
0x48: {  	_ =	shalt  }

// kernel: kernel.9.cloned.1.call-start
scs
__scs_entry_jumppad:
0x0: {  	(pc) =	sbr.rel $0x88, $3  }
0x1: {  	(tag) =	ssettag $0x0;
	lr =	simm.s32 $0x1  }
0x2: {  	[smem:$0x3F81] =	sst lr;
	_ =	strace $0xD0000000  }
0x3: {  	_ = 	snop  }
0x4: {  	_ = 	snop  }
0x5: {  	_ = 	snop  }
0x6: {  	_ = 	snop  }
0x7: {  	_ = 	snop  }
__scs_overlays_trampoline_lowered:
0x8: {  	[smem:$0x3F90] =	sst s0  }
0x9: {  	[smem:$0x3F91] =	sst s1  }
0xa: {  	[smem:$0x3F92] =	sst s2  }
0xb: {  	[smem:$0x3F93] =	sst s3  }
0xc: {  	[smem:$0x3F94] =	sst s4  }
0xd: {  	[smem:$0x3F95] =	sst s5  }
0xe: {  	[smem:$0x3F96] =	sst s6  }
0xf: {  	[smem:$0x3F97] =	sst s7  }
0x10: {  	[smem:$0x3F98] =	sst s8  }
0x11: {  	[smem:$0x3F99] =	sst s9;
	s0 =	simm.s32 @!p0 $0x0  }
0x12: {  	s1 =	sld [smem:$0x3F7F];
	s0 =	simm.s32 @p0 $0x1  }
0x13: {  	[smem:$0x3F9A] =	sst s0;
	s0 =	simm.s32 @!p1 $0x0  }
0x14: {  	s2 =	sld [smem:$0x3F7E];
	s0 =	simm.s32 @p1 $0x1  }
0x15: {  	[smem:$0x3F9B] =	sst s0;
	s0 =	simm.s32 @!p2 $0x0  }
0x16: {  	s3 =	sld [smem:$0x3FDB];
	s0 =	simm.s32 @p2 $0x1  }
0x17: {  	s4 =	simm.s32 $0x1BF5;
	[smem:$0x3F9D] =	sst s0  }
0x18: {  	s0 =	sld [smem:$0x3F80];
	_ =	swait.ge [sflag:s4], $0x0  }
0x19: {  	s7 =	sld [smem:$0x3F81]  }
0x1a: {  	s8 =	sadd.s32 $0xFFFFE003, lr  }
0x1b: {  	s9 =	sadd.s32 $0xFFFFFEF7, lr;
	s5 =	simm.s32 $0xFFFFFFFF;
	p2 =	slt.u32 s8, $0xFFFFF086  }
0x1c: {  	p1 =	slt.u32 s9, $0xF7A;
	s5 =	simm.s32 @!p2 $0x0  }
0x1d: {  	s5 =	simm.s32 @p1 $0x1;
	p0 =	seq.s32 s7, s2  }
0x1e: {  	s7 =	smul.u32 @!p0 $0xF7A, s2;
	p2 =	seq.s32 @!p0 s5, $0x0  }
0x1f: {  	s9 =	smul.u32 $0xF7A, s1;
	s8 =	simm.s32 @!p0 $0x1BF5;
	p2 =	por !p2, p0  }
0x20: {  	[sflag:s8] =	ssyncset.s32 @!p0 $0xFFFFF086;
	s6 =	sadd.s32 @!p0 s3, s7;
	s7 =	simm.s32 @!p0 $0x108  }
0x21: {  	s3 =	sadd.s32 s3, s9;
	s6 =	sadd.s32 @!p0 $0x88, s6;
	s7 =	simm.s32 @p2 $0x1082  }
0x22: {  	[simem:s7], [sflag:s8] =	dma.local @!p0 [hbm:s6], $0xF7A  }
0x23: {  	s9 =	sor.u32 $0xD0000000, s2;
	s6 =	simm.s32 $0x108;
	_ =	swait.ge @!p0 [sflag:s8], $0x0  }
0x24: {  	s3 =	sadd.s32 $0x88, s3;
	s6 =	simm.s32 @!p1 $0x1082;
	[sflag:s4] =	ssyncset.s32 $0xFFFFF086  }
0x25: {  	[simem:s6], [sflag:s4] =	dma.local [hbm:s3], $0xF7A  }
0x26: {  	[smem:$0x3F81] =	sst s1;
	(tag) =	ssettag s2;
	_ =	strace s9  }
0x27: {  	s1 =	sld [smem:$0x3F91]  }
0x28: {  	s2 =	sld [smem:$0x3F92]  }
0x29: {  	s4 =	sld [smem:$0x3F94]  }
0x2a: {  	p0 =	seq.s32 s5, $0x0;
	s5 =	sld [smem:$0x3F95]  }
0x2b: {  	s6 =	sld [smem:$0x3F96]  }
0x2c: {  	s7 =	sld [smem:$0x3F97]  }
0x2d: {  	s3 =	simm.s32 $0x108;
	s8 =	sld [smem:$0x3F98]  }
0x2e: {  	s3 =	simm.s32 @!p0 $0x1082;
	s9 =	sld [smem:$0x3F99]  }
0x2f: {  	lr =	sadd.s32 s0, s3;
	s0 =	sld [smem:$0x3F90]  }
0x30: {  	s3 =	sld [smem:$0x3F93]  }
0x31: {  	[smem:$0x3F9C] =	sst s10  }
0x32: {  	s10 =	sld [smem:$0x3F9A];
	_ =	sdelay $0x3  }
0x33: {  	p0 =	seq.s32 s10, $0x1;
	s10 =	sld [smem:$0x3F9C];
	_ =	sdelay $0x3  }
0x34: {  	[smem:$0x3F9C] =	sst s10  }
0x35: {  	s10 =	sld [smem:$0x3F9B];
	_ =	sdelay $0x3  }
0x36: {  	p1 =	seq.s32 s10, $0x1;
	s10 =	sld [smem:$0x3F9C];
	_ =	sdelay $0x3  }
0x37: {  	[smem:$0x3F9C] =	sst s10  }
0x38: {  	s10 =	sld [smem:$0x3F9D]  }
0x39: {  	_ = 	snop;
	(pc) =	sbr.ind lr, $3  }
0x3a: {  	_ = 	snop  }
0x3b: {  	_ = 	snop  }
0x3c: {  	p2 =	seq.s32 s10, $0x1;
	s10 =	sld [smem:$0x3F9C]  }
0x3d: {  	_ =	shalt  }
0x3e: {  	_ =	shalt  }
0x3f: {  	_ =	shalt  }
0x40: {  	_ =	shalt  }
0x41: {  	_ =	shalt  }
0x42: {  	_ =	shalt  }
0x43: {  	_ =	shalt  }
0x44: {  	_ =	shalt  }
0x45: {  	_ =	shalt  }
0x46: {  	_ =	shalt  }
0x47: {  	_ =	shalt  }
0x48: {  	_ =	shalt  }
0x49: {  	_ =	shalt  }
0x4a: {  	_ =	shalt  }
0x4b: {  	_ =	shalt  }
0x4c: {  	_ =	shalt  }
0x4d: {  	_ =	shalt  }
0x4e: {  	_ =	shalt  }
0x4f: {  	_ =	shalt  }
0x50: {  	_ =	shalt  }
0x51: {  	_ =	shalt  }
0x52: {  	_ =	shalt  }
0x53: {  	_ =	shalt  }
0x54: {  	_ =	shalt  }
0x55: {  	_ =	shalt  }
0x56: {  	_ =	shalt  }
0x57: {  	_ =	shalt  }
0x58: {  	_ =	shalt  }
0x59: {  	_ =	shalt  }
0x5a: {  	_ =	shalt  }
0x5b: {  	_ =	shalt  }
0x5c: {  	_ =	shalt  }
0x5d: {  	_ =	shalt  }
0x5e: {  	_ =	shalt  }
0x5f: {  	_ =	shalt  }
0x60: {  	_ =	shalt  }
0x61: {  	_ =	shalt  }
0x62: {  	_ =	shalt  }
0x63: {  	_ =	shalt  }
0x64: {  	_ =	shalt  }
0x65: {  	_ =	shalt  }
0x66: {  	_ =	shalt  }
0x67: {  	_ =	shalt  }
0x68: {  	_ =	shalt  }
0x69: {  	_ =	shalt  }
0x6a: {  	_ =	shalt  }
0x6b: {  	_ =	shalt  }
0x6c: {  	_ =	shalt  }
0x6d: {  	_ =	shalt  }
0x6e: {  	_ =	shalt  }
0x6f: {  	_ =	shalt  }
0x70: {  	_ =	shalt  }
0x71: {  	_ =	shalt  }
0x72: {  	_ =	shalt  }
0x73: {  	_ =	shalt  }
0x74: {  	_ =	shalt  }
0x75: {  	_ =	shalt  }
0x76: {  	_ =	shalt  }
0x77: {  	_ =	shalt  }
0x78: {  	_ =	shalt  }
0x79: {  	_ =	shalt  }
0x7a: {  	_ =	shalt  }
0x7b: {  	_ =	shalt  }
0x7c: {  	_ =	shalt  }
0x7d: {  	_ =	shalt  }
0x7e: {  	_ =	shalt  }
0x7f: {  	_ =	shalt  }
0x80: {  	_ =	shalt  }
0x81: {  	_ =	shalt  }
0x82: {  	_ =	shalt  }
0x83: {  	_ =	shalt  }
0x84: {  	_ =	shalt  }
0x85: {  	_ =	shalt  }
0x86: {  	_ =	shalt  }
0x87: {  	_ =	shalt  }
.Lfunc_end0:
.L_simem_size_0:
called_computation_lowered:
.L_overlay_start_0:
0x88: {  	s2 =	sld [smem:$0x3FD9]  }
0x89: {  	s3 =	sld [smem:$0x3FFE];
	_ =	sdelay $0x1  }
0x8a: {  	s1 =	srdreg.scid  }
0x8b: {  	s0 =	sand.u32 $0x1, s1  }
0x8c: {  	s16 =	sshll.u32 s0, $0xA;
	s2 =	sadd.s32 s3, s2  }
0x8d: {  	s2 =	sadd.s32 s2, s16  }
0x8e: {  	[smem:$0x3FA8] =	sst s2  }
0x8f: {  	_ = 	snop  }
0x90: {  	(tm) =	ssettm $0x1  }
0x91: {  	s17 =	sld [smem:$0x3FFB];
	_ =	sdelay $0x3  }
0x92: {  	_ =	strace s17  }
0x93: {  	s2 =	sld [smem:$0x3FFC];
	_ =	sdelay $0x3  }
0x94: {  	_ =	strace s2  }
0x95: {  	s2 =	sld [smem:$0x3FFD];
	_ =	sdelay $0x3  }
0x96: {  	_ =	strace s2  }
0x97: {  	_ =	strace $0x8FFFFFFF  }
0x98: {  	s18 =	sld [smem:$0x3FDB];
	_ =	sdelay $0x1  }
0x99: {  	s19 =	simm.s32 $_scs_section_size  }
0x9a: {  	s4 =	simm.s32 $_size__tile_overlayer_lowered;
	s5 =	simm.s32 $_tile_overlayer_lowered  }
0x9b: {  	s22 =	simm.s32 $0x1BFF;
	s21 =	sshll.u32 s5, $0x1;
	s2 =	sadd.s32 s19, s18  }
0x9c: {  	s6 =	simm.s32 $0x0;
	s20 =	sshll.u32 s4, $0x1;
	s4 =	sadd.s32 s21, s2  }
0x9d: {  	[timem:s6], [sflag:s22] =	dma.local [hbm:s4], s20  }
0x9e: {  	_ =	swait.ge [sflag:s22], s20  }
0x9f: {  	s3 =	ssub.s32 $0x0, s20;
	[sflag:s22] =	ssyncset.done $0x0  }
0xa0: {  	[sflag:s22] =	ssyncadd.s32 s3;
	_ =	sdelay $0x1  }
0xa1: {  	s23 =	simm.s32 $0x1B8B  }
0xa2: {  	_ =	swait.ge [sflag:s23], $0x1  }
0xa3: {  	[sflag:s23] =	ssyncset.done $0x0  }
0xa4: {  	s25 =	simm.s32 $0x1B8E;
	s24 =	sld [smem:$0x3FFE];
	[sflag:s23] =	ssyncadd.s32 $0xFFFFFFFF  }
0xa5: {  	s26 =	simm.s32 $execute0_lowered;
	[smem:$0x3FD2] =	sst s25  }
0xa6: {  	s4 =	sshll.u32 s26, $0x1;
	_ =	strace $0x80000046;
	[dreg:$0x1] =	wrdreg $0xFFFFFFFF  }
0xa7: {  	s28 =	simm.s32 $_size_execute0_lowered;
	s2 =	sadd.s32 s2, s4;
	[dreg:$0x0] =	wrdreg $0x0  }
0xa8: {  	s4 =	sshll.u32 s28, $0x1;
	[dreg:$0x2] =	wrdreg s2  }
0xa9: {  	[dreg:$0x3] =	wrdreg s4  }
0xaa: {  	[dreg:$0x4] =	wrdreg $0xC0  }
0xab: {  	_ =	task [dreg:s6], $0x5FFFF  }
0xac: {  	[dreg:$0x1] =	wrdreg $0xFFFFFFFF  }
0xad: {  	[dreg:$0x0] =	wrdreg $0x60  }
0xae: {  	[dreg:$0x2] =	wrdreg s24  }
0xaf: {  	[dreg:$0x3] =	wrdreg $0x90000  }
0xb0: {  	[dreg:$0x4] =	wrdreg $0x9  }
0xb1: {  	_ =	task.clear_ibuf [dreg:s6], $0x5FFFF;
	_ =	strace $0x90000046  }
0xb2: {  	s29 =	simm.s32 $0x9;
	_ =	strace $0x80000048  }
0xb3: {  	_ =	swait.ge [sflag:s29], $0x1  }
0xb4: {  	[sflag:s29] =	ssyncadd.s32 $0xFFFFFFFF  }
0xb5: {  	_ =	strace $0x90000048  }
0xb6: {  	_ =	sfence  }
0xb7: {  	s30 =	sld [smem:$0x0];
	_ =	sdelay $0x2  }
0xb8: {  	s31 =	sshll.u32 s1, $0xD;
	s1 =	sshrl.u32 s1, $0x2  }
0xb9: {  	s3 =	sand.u32 $0x4000, s31;
	s1 =	sadd.s32 s1, s30  }
0xba: {  	s0 =	sor.u32 s3, s0;
	s1 =	sshll.u32 s1, $0x11  }
0xbb: {  	s0 =	sor.u32 s1, s0  }
0xbc: {  	s0 =	sadd.s32 $0x8F2B, s0  }
0xbd: {  	[sflag:s0] =	ssyncadd.remote.s32 $0x1  }
0xbe: {  	_ =	sfence.sel $0xFFFF  }
0xbf: {  	[dreg:$0x0] =	wrdreg $0xFFFFFFFF;
	(pc) =	sbr.abs _section_cstart, $3  }
0xc0: {  	[dreg:$0x1] =	wrdreg $0xFFFFFFFF  }
0xc1: {  	_ =	task.clear_ibuf [dreg:s6], $0x2FFFF;
	_ =	strace $0x9FFFFFFF  }
0xc2: {  	(tm) =	ssettm $0x7FFFFFFF  }
0xc3: {  	_ =	shalt  }
tec
execute0_lowered:
.L_overlay_start_1:
0x0: {  	(tag) =	ssettag $0x1  }
0x1: {  	s1 =	srdreg.scid;
	s6 =	rddreg [dreg:$0x0]  }
0x2: {  	s0 =	stileid.u32;
	s2 =	rddreg [dreg:$0x1];
	s3 =	simm.s32 $0x0  }
0x3: {  	s13 =	simm.s32 $0x2800;
	s14 =	simm.s32 $0x80;
	s15 =	simm.s32 $0x5000  }
0x4: {  	s16 =	simm.s32 $0x1;
	s17 =	simm.s32 $0x0;
	s7 =	sand.u32 $0x1, s1  }
0x5: {  	s26 =	sshll.u32 s0, $0x1;
	s1 =	rddreg [dreg:$0x2];
	s8 =	smul.u32 $0x2780, s0  }
0x6: {  	[smem:$0x7FF] =	sst s3;
	s11 =	smul.u32 $0x4F000, s0;
	s31 =	sshll.u32 s0, $0x6  }
0x7: {  	s4 =	sor.u32 s7, s26;
	_ =	strace $0x80000047;
	s9 =	smul.u32 $0x27800, s7  }
0x8: {  	s7 =	ssub.s32 $0x2, s7;
	s5 =	smul.u32 $0x500, s4;
	s4 =	sadd.s32 $0x18A00, s6  }
0x9: {  	s28 =	sshrl.u32 s7, $0x1;
	s29 =	sshrl.u32 s11, $0x2;
	s8 =	sadd.s32 s8, s9  }
0xa: {  	s30 =	ssub.s32 s7, s28;
	s12 =	sadd.s32 s29, s2;
	s10 =	sadd.s32 s5, s6  }
0xb: {  	s5 =	sadd.s32 $0x8DE00, s6;
	s9 =	sadd.s32 s8, s6;
	s6 =	sor.u32 $0x1C02, s31  }
0xc: {  	s11 =	sshrl.u32 s12, $0x3;
	s12 =	simm.s32 $0x2;
	s7 =	sadd.s32 $0x4A00, s10  }
0xd: {  	s8 =	sadd.s32 $0xEA00, s10;
	s9 =	sadd.s32 $0x90600, s9;
	s10 =	smax.u32 s30, $0x1  }
.LBB2_1:
0xe: {  	[spmem:s11], [sflag:s6] =	dma.local [hbm:s5], $0x2780  }
0xf: {  	_ =	swait.ge [sflag:s12], $0x2780  }
0x10: {  	[sflag:s12] =	ssyncset.done $0x0  }
0x11: {  	[sflag:s12] =	ssyncadd.s32 $0xFFFFD880  }
0x12: {  	[tilespmem:s3], [sflag:$0x2] =	stream.linear.gather [hbm4b:s7+s3], $0x2780, $0x38;
	[tilespmem:$0x1CC00] =	vst v63  }
0x13: {  	_ =	swait.ge [sflag:s12], $0x2780  }
0x14: {  	[sflag:s12] =	ssyncset.done $0x0  }
0x15: {  	[sflag:s12] =	ssyncadd.s32 $0xFFFFD880  }
0x16: {  	[tilespmem:s13], [sflag:$0x2] =	stream.linear.gather [hbm4b:s8+s3], $0x2780, $0x38;
	[tilespmem:$0x1CC00] =	vst v63  }
0x17: {  	_ =	swait.ge [sflag:s12], $0x2780  }
0x18: {  	[sflag:s12] =	ssyncset.done $0x0  }
0x19: {  	[sflag:s12] =	ssyncadd.s32 $0xFFFFD880  }
0x1a: {  	s18 =	simm.s32 $0x0;
	[bflag:$0x0] =	sbarrier.arrive $0xFFFF  }
0x1b: {  	[tilespmem:s15], [sflag:$0x1] =	stream.indirect.gather [hbm4b:s4+s14], $0x80, s18, s14, $0xb8;
	[tilespmem:$0x1CC00] =	vst v63  }
0x1c: {  	_ =	swait.ge [sflag:s16], $0x4000  }
0x1d: {  	[sflag:s16] =	ssyncset.done $0x0  }
0x1e: {  	s31 =	simm.s32 $0x2800;
	[sflag:s16] =	ssyncadd.s32 $0xFFFFC000  }
0x1f: {  	[spmem:s2] =	stream.indirect.scatter.add.f32 [tilespmem:s15], [sflag:$0x2], $0x80, s31, s14, $0xb8;
	[tilespmem:$0x1CC00] =	vst v63  }
0x20: {  	_ =	swait.ge [sflag:s12], $0x4000  }
0x21: {  	s19 =	simm.s32 $0x400;
	s18 =	simm.s32 $0x200;
	[sflag:s12] =	ssyncset.done $0x0  }
.LBB2_2:
0x22: {  	s20 =	sshra.s32 s18, $0x2  }
0x23: {  	[sflag:s12] =	ssyncadd.s32 $0xFFFFC000;
	s18 =	smov.u32 s19;
	s21 =	sadd.s32 $0x200, s19  }
0x24: {  	[tilespmem:s15], [sflag:$0x1] =	stream.indirect.gather [hbm4b:s4+s14], $0x80, s20, s14, $0xb8;
	[tilespmem:$0x1CC00] =	vst v63  }
0x25: {  	p0 =	sne.s32 s19, $0x9C00;
	_ =	swait.ge [sflag:s16], $0x4000  }
.Ltmp0:
0x26: {  	[sflag:s16] =	ssyncset.done $0x0;
	(pc) =	sbr.rel @p0 .LBB2_2-.Ltmp0, $4  }
0x27: {  	s19 =	sadd.s32 $0x2800, s20;
	[sflag:s16] =	ssyncadd.s32 $0xFFFFC000  }
0x28: {  	[spmem:s2] =	stream.indirect.scatter.add.f32 [tilespmem:s15], [sflag:$0x2], $0x80, s19, s14, $0xb8;
	[tilespmem:$0x1CC00] =	vst v63  }
0x29: {  	_ =	swait.ge [sflag:s12], $0x4000  }
0x2a: {  	s19 =	smov.u32 s21;
	[sflag:s12] =	ssyncset.done $0x0  }
0x2b: {  	s18 =	sshra.s32 s18, $0x2;
	[sflag:s12] =	ssyncadd.s32 $0xFFFFC000  }
0x2c: {  	[tilespmem:s15], [sflag:$0x1] =	stream.indirect.gather [hbm4b:s4+s14], $0x80, s18, s14, $0xb8;
	[tilespmem:$0x1CC00] =	vst v63  }
0x2d: {  	_ =	swait.ge [sflag:s16], $0x4000  }
0x2e: {  	[sflag:s16] =	ssyncset.done $0x0  }
0x2f: {  	s18 =	sadd.s32 $0x2800, s18;
	[sflag:s16] =	ssyncadd.s32 $0xFFFFC000  }
0x30: {  	[spmem:s2] =	stream.indirect.scatter.add.f32 [tilespmem:s15], [sflag:$0x2], $0x80, s18, s14, $0xb8;
	[tilespmem:$0x1CC00] =	vst v63  }
0x31: {  	_ =	swait.ge [sflag:s12], $0x4000  }
0x32: {  	s17 =	sadd.s32 $0x1, s17;
	[sflag:s12] =	ssyncset.done $0x0  }
0x33: {  	p0 =	sne.s32 s17, s10;
	[sflag:s12] =	ssyncadd.s32 $0xFFFFC000  }
.Ltmp1:
0x34: {  	[bflag:$0x0] =	sbarrier.arrive $0xFFFF;
	(pc) =	sbr.rel @p0 .LBB2_1-.Ltmp1, $4  }
0x35: {  	[hbm:s9], [sflag:s6] =	dma.local [spmem:s11], $0x2780  }
0x36: {  	_ =	swait.ge [sflag:s12], $0x2780  }
0x37: {  	[sflag:s12] =	ssyncset.done $0x0  }
0x38: {  	[sflag:s12] =	ssyncadd.s32 $0xFFFFD880  }
0x39: {  	_ =	sfence.sel $0x180000  }
0x3a: {  	[bflag:$0x0] =	sbarrier.arrive $0xFFFF  }
0x3b: {  	p0 =	sne.s32 s0, $0x0;
	_ =	strace $0x90000047  }
0x3c: {  	s0 =	sadd.s32 @!p0 $0x100000, s1;
	[bflag:$0x2] =	sbarrier.arrive $0xFFFF  }
0x3d: {  	[sflag:s0] =	ssyncadd.tile.s32 @!p0 $0x1;
	_ =	shalt  }
.Lfunc_end2:
_tile_overlayer_lowered:
.L_overlay_start_2:
0x3e: {  	(tag) =	ssettag $0x2  }
0x3f: {  	s0 =	rddreg [dreg:$0x0];
	s2 =	stileid.u32  }
0x40: {  	s1 =	rddreg [dreg:$0x1];
	p0 =	sne.s32 s2, $0x0  }
0x41: {  	s3 =	rddreg [dreg:$0x2];
	[bflag:$0x3] =	sbarrier.arrive $0xFFFF;
	s2 =	simm.s32 @!p0 $0x1C02  }
0x42: {  	[timem:s3], [sflag:s2] =	dma.local @!p0 [hbm:s0], s1  }
0x43: {  	s0 =	simm.s32 @!p0 $0x2  }
0x44: {  	_ =	swait.ge @!p0 [sflag:s0], s1  }
0x45: {  	s1 =	ssub.s32 @!p0 $0x0, s1;
	[sflag:s0] =	ssyncset.done @!p0 $0x0  }
0x46: {  	[sflag:s0] =	ssyncadd.s32 @!p0 s1  }
0x47: {  	[bflag:$0x3] =	sbarrier.arrive $0xFFFF  }
0x48: {  	_ =	shalt  }

</sc_bundles>
